<compile_context>
chip_gen: v7x
topology: tpu7x:2x2x1
jax: 0.10.2.dev20260603
libtpu: 0.0.44.dev20260713+nightly
codegen_flags: <defaults>
</compile_context>

<pallas_src>
import functools

import jax
import jax.numpy as jnp
from jax import lax
from jax.experimental import pallas as pl
from jax.experimental.pallas import tpu as pltpu
from jax.experimental.pallas import tpu_sc as plsc

N_ROWS = 50000
D = 256
G = 128
NC = 2
NS = 16
DH = D // NC
BLK = 128
NFULL = N_ROWS // BLK
REM = N_ROWS - NFULL * BLK
REM_BASE = NFULL * BLK

TC_BLK = 3072
TC_GRID = 10
N_TC = TC_GRID * TC_BLK
SC_B0 = N_TC // BLK
SC_NFULL = NFULL - SC_B0


DEPTH = 4


def _sc_body(x_hbm, b_hbm, out_hbm, xbuf, idxbuf, x2, idx2, acc, zbuf, sg, ss, s2):
    c = lax.axis_index("c")
    s = lax.axis_index("s")
    col0 = c * DH

    nblk = (SC_NFULL - s + NS - 1) // NS

    def base_of(i):
        return (SC_B0 + s + i * NS) * BLK

    def fire_gather(i, slot):
        base = base_of(i)
        pltpu.async_copy(b_hbm.at[pl.ds(base, BLK)], idxbuf.at[slot], sg)
        pltpu.async_copy(
            x_hbm.at[pl.ds(base, BLK), pl.ds(col0, DH)], xbuf.at[slot], sg
        )

    def wait_gather(i, slot):
        base = base_of(i)
        pltpu.make_async_copy(
            b_hbm.at[pl.ds(base, BLK)], idxbuf.at[slot], sg
        ).wait()
        pltpu.make_async_copy(
            x_hbm.at[pl.ds(base, BLK), pl.ds(col0, DH)], xbuf.at[slot], sg
        ).wait()

    def wait_scatter(slot):
        pltpu.make_async_copy(xbuf.at[slot], acc.at[idxbuf.at[slot]], ss).wait()

    for j in range(DEPTH - 1):

        @pl.when(j < nblk)
        def _(j=j):
            fire_gather(j, j)

    @pl.when(s == NS - 1)
    def _rem_fetch():
        pltpu.async_copy(b_hbm.at[pl.ds(REM_BASE, REM)], idx2, s2)
        pltpu.async_copy(x_hbm.at[pl.ds(REM_BASE, REM), pl.ds(col0, DH)], x2, s2)

    zv = jnp.zeros((16,), jnp.float32)
    rows = G // NS

    def zrow(i, _):
        def zcol(j, _):
            zbuf[i, pl.ds(j * 16, 16)] = zv
            return 0

        return lax.fori_loop(0, DH // 16, zcol, 0)

    lax.fori_loop(0, rows, zrow, 0)
    r0 = s * rows
    pltpu.sync_copy(zbuf, acc.at[pl.ds(r0, rows)])

    plsc.subcore_barrier()

    @pl.when(s == NS - 1)
    def _rem_scatter():
        pltpu.make_async_copy(b_hbm.at[pl.ds(REM_BASE, REM)], idx2, s2).wait()
        pltpu.make_async_copy(
            x_hbm.at[pl.ds(REM_BASE, REM), pl.ds(col0, DH)], x2, s2
        ).wait()
        pltpu.async_copy(x2, acc.at[idx2], s2, add=True)

    def blk(i, _):
        slot = i % DEPTH

        @pl.when(i >= 1)
        def _():
            wait_scatter((i - 1) % DEPTH)

        @pl.when(i + DEPTH - 1 < nblk)
        def _():
            fire_gather(i + DEPTH - 1, (i + DEPTH - 1) % DEPTH)

        wait_gather(i, slot)
        pltpu.async_copy(xbuf.at[slot], acc.at[idxbuf.at[slot]], ss, add=True)
        return 0

    lax.fori_loop(0, nblk, blk, 0)
    wait_scatter((nblk - 1) % DEPTH)

    @pl.when(s == NS - 1)
    def _rem_wait():
        pltpu.make_async_copy(x2, acc.at[idx2], s2).wait()

    plsc.subcore_barrier()

    rows = G // NS
    r0 = s * rows
    pltpu.sync_copy(
        acc.at[pl.ds(r0, rows)], out_hbm.at[pl.ds(r0, rows), pl.ds(col0, DH)]
    )


def _tc_body(b_ref, x_ref, out_ref):
    j = pl.program_id(0)
    bb = b_ref[...]
    onehot = (
        lax.broadcasted_iota(jnp.int32, (G, TC_BLK), 0) == bb[None, :]
    ).astype(jnp.float32)
    p = jnp.dot(onehot, x_ref[...], preferred_element_type=jnp.float32)

    @pl.when(j == 0)
    def _():
        out_ref[...] = p

    @pl.when(j > 0)
    def _():
        out_ref[...] += p


def _add_body(a_ref, b_ref, o_ref):
    o_ref[...] = a_ref[...] + b_ref[...]


@jax.jit
def _sumpool(x, batch):
    mesh = plsc.VectorSubcoreMesh(core_axis_name="c", subcore_axis_name="s")
    part_sc = pl.kernel(
        _sc_body,
        out_type=jax.ShapeDtypeStruct((G, D), jnp.float32),
        mesh=mesh,
        scratch_types=[
            pltpu.VMEM((DEPTH, BLK, DH), jnp.float32),
            pltpu.VMEM((DEPTH, BLK), jnp.int32),
            pltpu.VMEM((REM, DH), jnp.float32),
            pltpu.VMEM((REM,), jnp.int32),
            pltpu.VMEM_SHARED((G, DH), jnp.float32),
            pltpu.VMEM((G // NS, DH), jnp.float32),
            pltpu.SemaphoreType.DMA,
            pltpu.SemaphoreType.DMA,
            pltpu.SemaphoreType.DMA,
        ],
    )(x, batch)

    part_tc = pl.pallas_call(
        _tc_body,
        grid=(TC_GRID,),
        in_specs=[
            pl.BlockSpec((TC_BLK,), lambda j: (j,)),
            pl.BlockSpec((TC_BLK, D), lambda j: (j, 0)),
        ],
        out_specs=pl.BlockSpec((G, D), lambda j: (0, 0)),
        out_shape=jax.ShapeDtypeStruct((G, D), jnp.float32),
    )(batch, x)

    return pl.pallas_call(
        _add_body,
        out_shape=jax.ShapeDtypeStruct((G, D), jnp.float32),
    )(part_sc, part_tc)


def kernel(x, batch):
    return _sumpool(x, batch.astype(jnp.int32))

# --- scband reference (transcript-rebuilt; emitter-appended) ---
"""Pipeline reference for scband-global-sumpool-79680233276311 (READ-ONLY COPY).

The authoritative reference and input builder live on the scoring server;
editing this copy changes nothing except your own understanding.
"""

import jax, jax.numpy as jnp
import numpy as np

NUM_GRAPHS = 128

def setup_inputs(seed: int = 0) -> dict:
    key = jax.random.key(seed)
    k1, k2 = jax.random.split(key)
    x = jax.random.normal(k1, (50000, 256), dtype=jnp.float32)
    batch = jnp.sort(jax.random.randint(k2, (50000,), 0, NUM_GRAPHS, dtype=jnp.int64))
    return {"x": x, "batch": batch}

def reference(x, batch):
    # global_add_pool: sum node features per graph id
    return jax.ops.segment_sum(x, batch, num_segments=NUM_GRAPHS)

if __name__ == "__main__":
    import jax
    _d = setup_inputs()
    print(jax.jit(kernel)(*tuple(_d.values())))

</pallas_src>

<mosaic_0001>
#map = affine_map<(d0, d1) -> (0, 0)>
#map1 = affine_map<(d0, d1) -> (0)>
module attributes {stable_mosaic.version = 14 : i64} {
  func.func @_sc_body(%arg0: i32, %arg1: i32, %arg2: memref<50000x256xf32, #tpu.memory_space<hbm>>, %arg3: memref<50000xi32, #tpu.memory_space<hbm>>, %arg4: memref<128x256xf32, #tpu.memory_space<hbm>>, %arg5: memref<4x128x128xf32, #tpu.memory_space<vmem>>, %arg6: memref<4x128xi32, #tpu.memory_space<vmem>>, %arg7: memref<80x128xf32, #tpu.memory_space<vmem>>, %arg8: memref<80xi32, #tpu.memory_space<vmem>>, %arg9: memref<128x128xf32, #tpu.memory_space<vmem_shared>>, %arg10: memref<8x128xf32, #tpu.memory_space<vmem>>, %arg11: memref<!tpu.dma_semaphore, #tpu.memory_space<semaphore_mem>>, %arg12: memref<!tpu.dma_semaphore, #tpu.memory_space<semaphore_mem>>, %arg13: memref<!tpu.dma_semaphore, #tpu.memory_space<semaphore_mem>>) attributes {dimension_semantics = [#tpu.dimension_semantics<core_parallel>, #tpu.dimension_semantics<subcore_parallel>], iteration_bounds = array<i64: 2, 16>, scalar_prefetch = 0 : i64, scratch_operands = 9 : i64, tpu.core_type = #tpu.core_type<sc_vector_subcore>, window_params = [{transform_indices = #map}, {transform_indices = #map1}, {transform_indices = #map}]} {
    %mul3A = arith.constant 128 : i32
    %mul3A_0 = arith.muli %arg0, %mul3A : i32
    %sub3A = arith.constant 150 : i32
    %sub3A_1 = arith.subi %sub3A, %arg1 : i32
    %add3A = arith.constant 16 : i32
    %add3A_2 = arith.addi %sub3A_1, %add3A : i32
    %sub3A_3 = arith.constant 1 : i32
    %sub3A_4 = arith.subi %add3A_2, %sub3A_3 : i32
    %jit3A = arith.constant 16 : i32
    %div3A = arith.divsi %sub3A_4, %jit3A : i32
    %sign3A = arith.constant 0 : i32
    %sign3A_5 = arith.cmpi sgt, %sub3A_4, %sign3A : i32
    %sign3A_6 = arith.extui %sign3A_5 : i1 to i32
    %sign3A_7 = arith.constant 0 : i32
    %sign3A_8 = arith.cmpi slt, %sub3A_4, %sign3A_7 : i32
    %sign3A_9 = arith.extui %sign3A_8 : i1 to i32
    %sign3A_10 = arith.subi %sign3A_6, %sign3A_9 : i32
    %sign3A_11 = arith.constant 0 : i32
    %sign3A_12 = arith.cmpi sgt, %jit3A, %sign3A_11 : i32
    %sign3A_13 = arith.extui %sign3A_12 : i1 to i32
    %sign3A_14 = arith.constant 0 : i32
    %sign3A_15 = arith.cmpi slt, %jit3A, %sign3A_14 : i32
    %sign3A_16 = arith.extui %sign3A_15 : i1 to i32
    %sign3A_17 = arith.subi %sign3A_13, %sign3A_16 : i32
    %ne3A = arith.cmpi ne, %sign3A_10, %sign3A_17 : i32
    %rem3A = arith.remsi %sub3A_4, %jit3A : i32
    %ne3A_18 = arith.constant 0 : i32
    %ne3A_19 = arith.cmpi ne, %rem3A, %ne3A_18 : i32
    %and3A = arith.andi %ne3A, %ne3A_19 : i1
    %sub3A_20 = arith.constant 1 : i32
    %sub3A_21 = arith.subi %div3A, %sub3A_20 : i32
    %select_n3A = arith.select %and3A, %sub3A_21, %div3A : i32
    %gt3A = arith.constant 0 : i32
    %gt3A_22 = arith.cmpi sgt, %select_n3A, %gt3A : i32
    %convert_element_type3A = arith.extui %gt3A_22 : i1 to i32
    %cond3A = arith.constant 0 : i32
    %cond3A_23 = arith.cmpi ne, %convert_element_type3A, %cond3A : i32
    scf.if %cond3A_23 {
      %add3A_97 = arith.constant 240 : i32
      %add3A_98 = arith.addi %add3A_97, %arg1 : i32
      %add3A_99 = arith.constant 0 : i32
      %add3A_100 = arith.addi %add3A_98, %add3A_99 : i32
      %mul3A_101 = arith.constant 128 : i32
      %mul3A_102 = arith.muli %add3A_100, %mul3A_101 : i32
      %dma_start3A = arith.constant 0 : i32
      %dma_start3A_103 = arith.constant 0 : i32
      %dma_start3A_104 = tpu.memref_slice %arg6[%dma_start3A, %dma_start3A_103] : memref<4x128xi32, #tpu.memory_space<vmem>> -> memref<1x128xi32, #tpu.memory_space<vmem>>
      %dma_start3A_105 = tpu.memref_squeeze %dma_start3A_104 : memref<1x128xi32, #tpu.memory_space<vmem>> -> memref<128xi32, #tpu.memory_space<vmem>>
      %dma_start3A_106 = tpu.memref_slice %arg3[%mul3A_102] : memref<50000xi32, #tpu.memory_space<hbm>> -> memref<128xi32, #tpu.memory_space<hbm>>
      %dma_start3A_107 = arith.constant 0 : i32
      %dma_start3A_108 = tpu.memref_slice %arg6[%dma_start3A, %dma_start3A_107] : memref<4x128xi32, #tpu.memory_space<vmem>> -> memref<1x128xi32, #tpu.memory_space<vmem>>
      %dma_start3A_109 = tpu.memref_squeeze %dma_start3A_108 : memref<1x128xi32, #tpu.memory_space<vmem>> -> memref<128xi32, #tpu.memory_space<vmem>>
      %dma_start3A_110 = tpu.memref_slice %arg3[%mul3A_102] : memref<50000xi32, #tpu.memory_space<hbm>> -> memref<128xi32, #tpu.memory_space<hbm>>
      tpu.enqueue_dma source(%dma_start3A_110 : memref<128xi32, #tpu.memory_space<hbm>>) target(%dma_start3A_109 : memref<128xi32, #tpu.memory_space<vmem>>) target_semaphore(%arg11 : memref<!tpu.dma_semaphore, #tpu.memory_space<semaphore_mem>>)
      %dma_start3A_111 = arith.constant 0 : i32
      %dma_start3A_112 = arith.constant 0 : i32
      %dma_start3A_113 = arith.constant 0 : i32
      %dma_start3A_114 = tpu.memref_slice %arg5[%dma_start3A_111, %dma_start3A_112, %dma_start3A_113] : memref<4x128x128xf32, #tpu.memory_space<vmem>> -> memref<1x128x128xf32, #tpu.memory_space<vmem>>
      %dma_start3A_115 = tpu.memref_squeeze %dma_start3A_114 : memref<1x128x128xf32, #tpu.memory_space<vmem>> -> memref<128x128xf32, #tpu.memory_space<vmem>>
      %dma_start3A_116 = tpu.memref_slice %arg2[%mul3A_102, %mul3A_0] : memref<50000x256xf32, #tpu.memory_space<hbm>> -> memref<128x128xf32, #tpu.memory_space<hbm>>
      %dma_start3A_117 = arith.constant 0 : i32
      %dma_start3A_118 = arith.constant 0 : i32
      %dma_start3A_119 = tpu.memref_slice %arg5[%dma_start3A_111, %dma_start3A_117, %dma_start3A_118] : memref<4x128x128xf32, #tpu.memory_space<vmem>> -> memref<1x128x128xf32, #tpu.memory_space<vmem>>
      %dma_start3A_120 = tpu.memref_squeeze %dma_start3A_119 : memref<1x128x128xf32, #tpu.memory_space<vmem>> -> memref<128x128xf32, #tpu.memory_space<vmem>>
      %dma_start3A_121 = tpu.memref_slice %arg2[%mul3A_102, %mul3A_0] : memref<50000x256xf32, #tpu.memory_space<hbm>> -> memref<128x128xf32, #tpu.memory_space<hbm>>
      tpu.enqueue_dma source(%dma_start3A_121 : memref<128x128xf32, #tpu.memory_space<hbm>>) target(%dma_start3A_120 : memref<128x128xf32, #tpu.memory_space<vmem>>) target_semaphore(%arg11 : memref<!tpu.dma_semaphore, #tpu.memory_space<semaphore_mem>>)
    } else {
    }
    %gt3A_24 = arith.constant 1 : i32
    %gt3A_25 = arith.cmpi sgt, %select_n3A, %gt3A_24 : i32
    %convert_element_type3A_26 = arith.extui %gt3A_25 : i1 to i32
    %cond3A_27 = arith.constant 0 : i32
    %cond3A_28 = arith.cmpi ne, %convert_element_type3A_26, %cond3A_27 : i32
    scf.if %cond3A_28 {
      %add3A_97 = arith.constant 240 : i32
      %add3A_98 = arith.addi %add3A_97, %arg1 : i32
      %add3A_99 = arith.constant 16 : i32
      %add3A_100 = arith.addi %add3A_98, %add3A_99 : i32
      %mul3A_101 = arith.constant 128 : i32
      %mul3A_102 = arith.muli %add3A_100, %mul3A_101 : i32
      %dma_start3A = arith.constant 1 : i32
      %dma_start3A_103 = arith.constant 0 : i32
      %dma_start3A_104 = tpu.memref_slice %arg6[%dma_start3A, %dma_start3A_103] : memref<4x128xi32, #tpu.memory_space<vmem>> -> memref<1x128xi32, #tpu.memory_space<vmem>>
      %dma_start3A_105 = tpu.memref_squeeze %dma_start3A_104 : memref<1x128xi32, #tpu.memory_space<vmem>> -> memref<128xi32, #tpu.memory_space<vmem>>
      %dma_start3A_106 = tpu.memref_slice %arg3[%mul3A_102] : memref<50000xi32, #tpu.memory_space<hbm>> -> memref<128xi32, #tpu.memory_space<hbm>>
      %dma_start3A_107 = arith.constant 0 : i32
      %dma_start3A_108 = tpu.memref_slice %arg6[%dma_start3A, %dma_start3A_107] : memref<4x128xi32, #tpu.memory_space<vmem>> -> memref<1x128xi32, #tpu.memory_space<vmem>>
      %dma_start3A_109 = tpu.memref_squeeze %dma_start3A_108 : memref<1x128xi32, #tpu.memory_space<vmem>> -> memref<128xi32, #tpu.memory_space<vmem>>
      %dma_start3A_110 = tpu.memref_slice %arg3[%mul3A_102] : memref<50000xi32, #tpu.memory_space<hbm>> -> memref<128xi32, #tpu.memory_space<hbm>>
      tpu.enqueue_dma source(%dma_start3A_110 : memref<128xi32, #tpu.memory_space<hbm>>) target(%dma_start3A_109 : memref<128xi32, #tpu.memory_space<vmem>>) target_semaphore(%arg11 : memref<!tpu.dma_semaphore, #tpu.memory_space<semaphore_mem>>)
      %dma_start3A_111 = arith.constant 1 : i32
      %dma_start3A_112 = arith.constant 0 : i32
      %dma_start3A_113 = arith.constant 0 : i32
      %dma_start3A_114 = tpu.memref_slice %arg5[%dma_start3A_111, %dma_start3A_112, %dma_start3A_113] : memref<4x128x128xf32, #tpu.memory_space<vmem>> -> memref<1x128x128xf32, #tpu.memory_space<vmem>>
      %dma_start3A_115 = tpu.memref_squeeze %dma_start3A_114 : memref<1x128x128xf32, #tpu.memory_space<vmem>> -> memref<128x128xf32, #tpu.memory_space<vmem>>
      %dma_start3A_116 = tpu.memref_slice %arg2[%mul3A_102, %mul3A_0] : memref<50000x256xf32, #tpu.memory_space<hbm>> -> memref<128x128xf32, #tpu.memory_space<hbm>>
      %dma_start3A_117 = arith.constant 0 : i32
      %dma_start3A_118 = arith.constant 0 : i32
      %dma_start3A_119 = tpu.memref_slice %arg5[%dma_start3A_111, %dma_start3A_117, %dma_start3A_118] : memref<4x128x128xf32, #tpu.memory_space<vmem>> -> memref<1x128x128xf32, #tpu.memory_space<vmem>>
      %dma_start3A_120 = tpu.memref_squeeze %dma_start3A_119 : memref<1x128x128xf32, #tpu.memory_space<vmem>> -> memref<128x128xf32, #tpu.memory_space<vmem>>
      %dma_start3A_121 = tpu.memref_slice %arg2[%mul3A_102, %mul3A_0] : memref<50000x256xf32, #tpu.memory_space<hbm>> -> memref<128x128xf32, #tpu.memory_space<hbm>>
      tpu.enqueue_dma source(%dma_start3A_121 : memref<128x128xf32, #tpu.memory_space<hbm>>) target(%dma_start3A_120 : memref<128x128xf32, #tpu.memory_space<vmem>>) target_semaphore(%arg11 : memref<!tpu.dma_semaphore, #tpu.memory_space<semaphore_mem>>)
    } else {
    }
    %gt3A_29 = arith.constant 2 : i32
    %gt3A_30 = arith.cmpi sgt, %select_n3A, %gt3A_29 : i32
    %convert_element_type3A_31 = arith.extui %gt3A_30 : i1 to i32
    %cond3A_32 = arith.constant 0 : i32
    %cond3A_33 = arith.cmpi ne, %convert_element_type3A_31, %cond3A_32 : i32
    scf.if %cond3A_33 {
      %add3A_97 = arith.constant 240 : i32
      %add3A_98 = arith.addi %add3A_97, %arg1 : i32
      %add3A_99 = arith.constant 32 : i32
      %add3A_100 = arith.addi %add3A_98, %add3A_99 : i32
      %mul3A_101 = arith.constant 128 : i32
      %mul3A_102 = arith.muli %add3A_100, %mul3A_101 : i32
      %dma_start3A = arith.constant 2 : i32
      %dma_start3A_103 = arith.constant 0 : i32
      %dma_start3A_104 = tpu.memref_slice %arg6[%dma_start3A, %dma_start3A_103] : memref<4x128xi32, #tpu.memory_space<vmem>> -> memref<1x128xi32, #tpu.memory_space<vmem>>
      %dma_start3A_105 = tpu.memref_squeeze %dma_start3A_104 : memref<1x128xi32, #tpu.memory_space<vmem>> -> memref<128xi32, #tpu.memory_space<vmem>>
      %dma_start3A_106 = tpu.memref_slice %arg3[%mul3A_102] : memref<50000xi32, #tpu.memory_space<hbm>> -> memref<128xi32, #tpu.memory_space<hbm>>
      %dma_start3A_107 = arith.constant 0 : i32
      %dma_start3A_108 = tpu.memref_slice %arg6[%dma_start3A, %dma_start3A_107] : memref<4x128xi32, #tpu.memory_space<vmem>> -> memref<1x128xi32, #tpu.memory_space<vmem>>
      %dma_start3A_109 = tpu.memref_squeeze %dma_start3A_108 : memref<1x128xi32, #tpu.memory_space<vmem>> -> memref<128xi32, #tpu.memory_space<vmem>>
      %dma_start3A_110 = tpu.memref_slice %arg3[%mul3A_102] : memref<50000xi32, #tpu.memory_space<hbm>> -> memref<128xi32, #tpu.memory_space<hbm>>
      tpu.enqueue_dma source(%dma_start3A_110 : memref<128xi32, #tpu.memory_space<hbm>>) target(%dma_start3A_109 : memref<128xi32, #tpu.memory_space<vmem>>) target_semaphore(%arg11 : memref<!tpu.dma_semaphore, #tpu.memory_space<semaphore_mem>>)
      %dma_start3A_111 = arith.constant 2 : i32
      %dma_start3A_112 = arith.constant 0 : i32
      %dma_start3A_113 = arith.constant 0 : i32
      %dma_start3A_114 = tpu.memref_slice %arg5[%dma_start3A_111, %dma_start3A_112, %dma_start3A_113] : memref<4x128x128xf32, #tpu.memory_space<vmem>> -> memref<1x128x128xf32, #tpu.memory_space<vmem>>
      %dma_start3A_115 = tpu.memref_squeeze %dma_start3A_114 : memref<1x128x128xf32, #tpu.memory_space<vmem>> -> memref<128x128xf32, #tpu.memory_space<vmem>>
      %dma_start3A_116 = tpu.memref_slice %arg2[%mul3A_102, %mul3A_0] : memref<50000x256xf32, #tpu.memory_space<hbm>> -> memref<128x128xf32, #tpu.memory_space<hbm>>
      %dma_start3A_117 = arith.constant 0 : i32
      %dma_start3A_118 = arith.constant 0 : i32
      %dma_start3A_119 = tpu.memref_slice %arg5[%dma_start3A_111, %dma_start3A_117, %dma_start3A_118] : memref<4x128x128xf32, #tpu.memory_space<vmem>> -> memref<1x128x128xf32, #tpu.memory_space<vmem>>
      %dma_start3A_120 = tpu.memref_squeeze %dma_start3A_119 : memref<1x128x128xf32, #tpu.memory_space<vmem>> -> memref<128x128xf32, #tpu.memory_space<vmem>>
      %dma_start3A_121 = tpu.memref_slice %arg2[%mul3A_102, %mul3A_0] : memref<50000x256xf32, #tpu.memory_space<hbm>> -> memref<128x128xf32, #tpu.memory_space<hbm>>
      tpu.enqueue_dma source(%dma_start3A_121 : memref<128x128xf32, #tpu.memory_space<hbm>>) target(%dma_start3A_120 : memref<128x128xf32, #tpu.memory_space<vmem>>) target_semaphore(%arg11 : memref<!tpu.dma_semaphore, #tpu.memory_space<semaphore_mem>>)
    } else {
    }
    %eq3A = arith.constant 15 : i32
    %eq3A_34 = arith.cmpi eq, %arg1, %eq3A : i32
    %convert_element_type3A_35 = arith.extui %eq3A_34 : i1 to i32
    %cond3A_36 = arith.constant 0 : i32
    %cond3A_37 = arith.cmpi ne, %convert_element_type3A_35, %cond3A_36 : i32
    scf.if %cond3A_37 {
      %dma_start3A = arith.constant 49920 : i32
      %dma_start3A_97 = tpu.memref_slice %arg3[%dma_start3A] : memref<50000xi32, #tpu.memory_space<hbm>> -> memref<80xi32, #tpu.memory_space<hbm>>
      %dma_start3A_98 = arith.constant 49920 : i32
      %dma_start3A_99 = tpu.memref_slice %arg3[%dma_start3A_98] : memref<50000xi32, #tpu.memory_space<hbm>> -> memref<80xi32, #tpu.memory_space<hbm>>
      tpu.enqueue_dma source(%dma_start3A_99 : memref<80xi32, #tpu.memory_space<hbm>>) target(%arg8 : memref<80xi32, #tpu.memory_space<vmem>>) target_semaphore(%arg13 : memref<!tpu.dma_semaphore, #tpu.memory_space<semaphore_mem>>)
      %dma_start3A_100 = arith.constant 49920 : i32
      %dma_start3A_101 = tpu.memref_slice %arg2[%dma_start3A_100, %mul3A_0] : memref<50000x256xf32, #tpu.memory_space<hbm>> -> memref<80x128xf32, #tpu.memory_space<hbm>>
      %dma_start3A_102 = arith.constant 49920 : i32
      %dma_start3A_103 = tpu.memref_slice %arg2[%dma_start3A_102, %mul3A_0] : memref<50000x256xf32, #tpu.memory_space<hbm>> -> memref<80x128xf32, #tpu.memory_space<hbm>>
      tpu.enqueue_dma source(%dma_start3A_103 : memref<80x128xf32, #tpu.memory_space<hbm>>) target(%arg7 : memref<80x128xf32, #tpu.memory_space<vmem>>) target_semaphore(%arg13 : memref<!tpu.dma_semaphore, #tpu.memory_space<semaphore_mem>>)
    } else {
    }
    %broadcast_in_dim3A = arith.constant 0.000000e+00 : f32
    %broadcast_in_dim3A_38 = vector.broadcast %broadcast_in_dim3A : f32 to vector<16xf32>
    %scan3A = arith.constant 0 : i32
    %scan3A_39 = arith.constant 0 : i32
    %scan3A_40 = arith.constant 8 : i32
    %scan3A_41 = arith.addi %scan3A_39, %scan3A_40 : i32
    %scan3A_42 = arith.constant 1 : i32
    %scan3A_43 = scf.for %scan3A_97 = %scan3A_39 to %scan3A_41 step %scan3A_42 iter_args(%scan3A_98 = %scan3A) -> (i32)  : i32 {
      %scan3A_99 = arith.constant 0 : i32
      %scan3A_100 = arith.constant 0 : i32
      %scan3A_101 = arith.constant 8 : i32
      %scan3A_102 = arith.addi %scan3A_100, %scan3A_101 : i32
      %scan3A_103 = arith.constant 1 : i32
      %scan3A_104 = scf.for %scan3A_106 = %scan3A_100 to %scan3A_102 step %scan3A_103 iter_args(%scan3A_107 = %scan3A_99) -> (i32)  : i32 {
        %mul3A_108 = arith.constant 16 : i32
        %mul3A_109 = arith.muli %scan3A_106, %mul3A_108 : i32
        %swap3A = arith.index_cast %scan3A_97 : i32 to index
        %swap3A_110 = arith.index_cast %mul3A_109 : i32 to index
        %swap3A_111 = tpu.vector_load %arg10[%swap3A, %swap3A_110] {strides = array<i32>} : memref<8x128xf32, #tpu.memory_space<vmem>>, vector<1x16xf32>,
        %swap3A_112 = vector.shape_cast %swap3A_111 : vector<1x16xf32> to vector<16xf32>
        %swap3A_113 = vector.shape_cast %broadcast_in_dim3A_38 : vector<16xf32> to vector<1x16xf32>
        tpu.vector_store %arg10[%swap3A, %swap3A_110], %swap3A_113 {strides = array<i32>} : memref<8x128xf32, #tpu.memory_space<vmem>>, vector<1x16xf32>,
        %scan3A_114 = arith.constant 0 : i32
        scf.yield %scan3A_114 : i32
      }
      %scan3A_105 = arith.constant 8 : i32
      scf.yield %scan3A_104 : i32
    }
    %scan3A_44 = arith.constant 8 : i32
    %mul3A_45 = arith.constant 8 : i32
    %mul3A_46 = arith.muli %arg1, %mul3A_45 : i32
    "tpu.region"() ({
      %run_scoped3A = tpu.sem_alloc : memref<!tpu.dma_semaphore, #tpu.memory_space<semaphore_mem>>
      %dma_start3A = arith.constant 0 : i32
      %dma_start3A_97 = tpu.memref_slice %arg9[%mul3A_46, %dma_start3A] : memref<128x128xf32, #tpu.memory_space<vmem_shared>> -> memref<8x128xf32, #tpu.memory_space<vmem_shared>>
      %dma_start3A_98 = arith.constant 0 : i32
      %dma_start3A_99 = tpu.memref_slice %arg9[%mul3A_46, %dma_start3A_98] : memref<128x128xf32, #tpu.memory_space<vmem_shared>> -> memref<8x128xf32, #tpu.memory_space<vmem_shared>>
      tpu.enqueue_dma source(%arg10 : memref<8x128xf32, #tpu.memory_space<vmem>>) target(%dma_start3A_99 : memref<8x128xf32, #tpu.memory_space<vmem_shared>>) target_semaphore(%run_scoped3A : memref<!tpu.dma_semaphore, #tpu.memory_space<semaphore_mem>>)
      %dma_wait3A_100 = arith.constant 0 : i32
      %dma_wait3A_101 = tpu.memref_slice %arg9[%mul3A_46, %dma_wait3A_100] : memref<128x128xf32, #tpu.memory_space<vmem_shared>> -> memref<8x128xf32, #tpu.memory_space<vmem_shared>>
      %dma_wait3A_102 = arith.constant 0 : i32
      %dma_wait3A_103 = tpu.memref_slice %arg9[%mul3A_46, %dma_wait3A_102] : memref<128x128xf32, #tpu.memory_space<vmem_shared>> -> memref<8x128xf32, #tpu.memory_space<vmem_shared>>
      tpu.wait_dma2 semaphore(%run_scoped3A : memref<!tpu.dma_semaphore, #tpu.memory_space<semaphore_mem>>) src(%arg10 : memref<8x128xf32, #tpu.memory_space<vmem>>) dst(%dma_wait3A_103 : memref<8x128xf32, #tpu.memory_space<vmem_shared>>)
      tpu.yield
    }) : () -> ()
    %barrier3A = arith.constant 0 : index
    tpu.barrier barrier_id(%barrier3A)
    %eq3A_47 = arith.constant 15 : i32
    %eq3A_48 = arith.cmpi eq, %arg1, %eq3A_47 : i32
    %convert_element_type3A_49 = arith.extui %eq3A_48 : i1 to i32
    %cond3A_50 = arith.constant 0 : i32
    %cond3A_51 = arith.cmpi ne, %convert_element_type3A_49, %cond3A_50 : i32
    scf.if %cond3A_51 {
      %dma_wait3A_97 = arith.constant 49920 : i32
      %dma_wait3A_98 = tpu.memref_slice %arg3[%dma_wait3A_97] : memref<50000xi32, #tpu.memory_space<hbm>> -> memref<80xi32, #tpu.memory_space<hbm>>
      %dma_wait3A_99 = arith.constant 49920 : i32
      %dma_wait3A_100 = tpu.memref_slice %arg3[%dma_wait3A_99] : memref<50000xi32, #tpu.memory_space<hbm>> -> memref<80xi32, #tpu.memory_space<hbm>>
      tpu.wait_dma2 semaphore(%arg13 : memref<!tpu.dma_semaphore, #tpu.memory_space<semaphore_mem>>) src(%dma_wait3A_100 : memref<80xi32, #tpu.memory_space<hbm>>) dst(%arg8 : memref<80xi32, #tpu.memory_space<vmem>>)
      %dma_wait3A_101 = arith.constant 49920 : i32
      %dma_wait3A_102 = tpu.memref_slice %arg2[%dma_wait3A_101, %mul3A_0] : memref<50000x256xf32, #tpu.memory_space<hbm>> -> memref<80x128xf32, #tpu.memory_space<hbm>>
      %dma_wait3A_103 = arith.constant 49920 : i32
      %dma_wait3A_104 = tpu.memref_slice %arg2[%dma_wait3A_103, %mul3A_0] : memref<50000x256xf32, #tpu.memory_space<hbm>> -> memref<80x128xf32, #tpu.memory_space<hbm>>
      tpu.wait_dma2 semaphore(%arg13 : memref<!tpu.dma_semaphore, #tpu.memory_space<semaphore_mem>>) src(%dma_wait3A_104 : memref<80x128xf32, #tpu.memory_space<hbm>>) dst(%arg7 : memref<80x128xf32, #tpu.memory_space<vmem>>)
      %dma_start3A = arith.constant 0 : i32
      %dma_start3A_105 = arith.constant 0 : i32
      %dma_start3A_106 = tpu.memref_slice %arg9[%dma_start3A, %dma_start3A_105] : memref<128x128xf32, #tpu.memory_space<vmem_shared>> -> memref<128x128xf32, #tpu.memory_space<vmem_shared>>
      tpu.enqueue_indirect_dma source(%arg7 : memref<80x128xf32, #tpu.memory_space<vmem>>) target(%dma_start3A_106 : memref<128x128xf32, #tpu.memory_space<vmem_shared>>) offsets(%arg8 : memref<80xi32, #tpu.memory_space<vmem>>) semaphore(%arg13 : memref<!tpu.dma_semaphore, #tpu.memory_space<semaphore_mem>>) {add = true}
    } else {
    }
    %while3A = arith.constant 0 : i32
    %while3A_52 = arith.constant 0 : i32
    %while3A_53 = arith.subi %select_n3A, %while3A : i32
    %while3A_54 = arith.addi %while3A, %while3A_53 : i32
    %while3A_55 = arith.constant 1 : i32
    %while3A_56 = arith.divsi %while3A_53, %while3A_55 : i32
    %while3A_57 = arith.muli %while3A_56, %while3A_55 : i32
    %while3A_58 = arith.addi %while3A, %while3A_57 : i32
    %while3A_59 = arith.constant 1 : i32
    %while3A_60 = scf.for %while3A_97 = %while3A to %while3A_58 step %while3A_59 iter_args(%while3A_98 = %while3A_52) -> (i32)  : i32 {
      %jit3A_99 = arith.constant 4 : i32
      %eq3A_100 = arith.constant 0 : i32
      %eq3A_101 = arith.cmpi eq, %jit3A_99, %eq3A_100 : i32
      %jit3A_102 = arith.constant 1 : i32
      %select_n3A_103 = arith.select %eq3A_101, %jit3A_102, %jit3A_99 : i32
      %rem3A_104 = arith.remsi %while3A_97, %select_n3A_103 : i32
      %ne3A_105 = arith.constant 0 : i32
      %ne3A_106 = arith.cmpi ne, %rem3A_104, %ne3A_105 : i32
      %lt3A_107 = arith.constant 0 : i32
      %lt3A_108 = arith.cmpi slt, %rem3A_104, %lt3A_107 : i32
      %lt3A_109 = arith.constant 0 : i32
      %lt3A_110 = arith.cmpi slt, %select_n3A_103, %lt3A_109 : i32
      %ne3A_111 = arith.xori %lt3A_108, %lt3A_110 : i1
      %and3A_112 = arith.andi %ne3A_111, %ne3A_106 : i1
      %add3A_113 = arith.addi %rem3A_104, %select_n3A_103 : i32
      %select_n3A_114 = arith.select %and3A_112, %add3A_113, %rem3A_104 : i32
      %ge3A = arith.constant 1 : i32
      %ge3A_115 = arith.cmpi sge, %while3A_97, %ge3A : i32
      %convert_element_type3A_116 = arith.extui %ge3A_115 : i1 to i32
      %cond3A_117 = arith.constant 0 : i32
      %cond3A_118 = arith.cmpi ne, %convert_element_type3A_116, %cond3A_117 : i32
      scf.if %cond3A_118 {
        %sub3A_162 = arith.constant 1 : i32
        %sub3A_163 = arith.subi %while3A_97, %sub3A_162 : i32
        %jit3A_164 = arith.constant 4 : i32
        %eq3A_165 = arith.constant 0 : i32
        %eq3A_166 = arith.cmpi eq, %jit3A_164, %eq3A_165 : i32
        %jit3A_167 = arith.constant 1 : i32
        %select_n3A_168 = arith.select %eq3A_166, %jit3A_167, %jit3A_164 : i32
        %rem3A_169 = arith.remsi %sub3A_163, %select_n3A_168 : i32
        %ne3A_170 = arith.constant 0 : i32
        %ne3A_171 = arith.cmpi ne, %rem3A_169, %ne3A_170 : i32
        %lt3A_172 = arith.constant 0 : i32
        %lt3A_173 = arith.cmpi slt, %rem3A_169, %lt3A_172 : i32
        %lt3A_174 = arith.constant 0 : i32
        %lt3A_175 = arith.cmpi slt, %select_n3A_168, %lt3A_174 : i32
        %ne3A_176 = arith.xori %lt3A_173, %lt3A_175 : i1
        %and3A_177 = arith.andi %ne3A_176, %ne3A_171 : i1
        %add3A_178 = arith.addi %rem3A_169, %select_n3A_168 : i32
        %select_n3A_179 = arith.select %and3A_177, %add3A_178, %rem3A_169 : i32
        %dma_wait3A_180 = arith.constant 0 : i32
        %dma_wait3A_181 = arith.constant 0 : i32
        %dma_wait3A_182 = tpu.memref_slice %arg5[%select_n3A_179, %dma_wait3A_180, %dma_wait3A_181] : memref<4x128x128xf32, #tpu.memory_space<vmem>> -> memref<1x128x128xf32, #tpu.memory_space<vmem>>
        %dma_wait3A_183 = tpu.memref_squeeze %dma_wait3A_182 : memref<1x128x128xf32, #tpu.memory_space<vmem>> -> memref<128x128xf32, #tpu.memory_space<vmem>>
        %dma_wait3A_184 = arith.constant 0 : i32
        %dma_wait3A_185 = tpu.memref_slice %arg6[%select_n3A_179, %dma_wait3A_184] : memref<4x128xi32, #tpu.memory_space<vmem>> -> memref<1x128xi32, #tpu.memory_space<vmem>>
        %dma_wait3A_186 = tpu.memref_squeeze %dma_wait3A_185 : memref<1x128xi32, #tpu.memory_space<vmem>> -> memref<128xi32, #tpu.memory_space<vmem>>
        %dma_wait3A_187 = arith.constant 0 : i32
        %dma_wait3A_188 = arith.constant 0 : i32
        %dma_wait3A_189 = tpu.memref_slice %arg9[%dma_wait3A_187, %dma_wait3A_188] : memref<128x128xf32, #tpu.memory_space<vmem_shared>> -> memref<128x128xf32, #tpu.memory_space<vmem_shared>>
        tpu.wait_indirect_dma semaphore(%arg12 : memref<!tpu.dma_semaphore, #tpu.memory_space<semaphore_mem>>) src(%dma_wait3A_183 : memref<128x128xf32, #tpu.memory_space<vmem>>) dst(%dma_wait3A_189 : memref<128x128xf32, #tpu.memory_space<vmem_shared>>)
      } else {
      }
      %add3A_119 = arith.constant 4 : i32
      %add3A_120 = arith.addi %while3A_97, %add3A_119 : i32
      %sub3A_121 = arith.constant 1 : i32
      %sub3A_122 = arith.subi %add3A_120, %sub3A_121 : i32
      %lt3A_123 = arith.cmpi slt, %sub3A_122, %select_n3A : i32
      %convert_element_type3A_124 = arith.extui %lt3A_123 : i1 to i32
      %cond3A_125 = arith.constant 0 : i32
      %cond3A_126 = arith.cmpi ne, %convert_element_type3A_124, %cond3A_125 : i32
      scf.if %cond3A_126 {
        %add3A_162 = arith.constant 4 : i32
        %add3A_163 = arith.addi %while3A_97, %add3A_162 : i32
        %sub3A_164 = arith.constant 1 : i32
        %sub3A_165 = arith.subi %add3A_163, %sub3A_164 : i32
        %add3A_166 = arith.constant 4 : i32
        %add3A_167 = arith.addi %while3A_97, %add3A_166 : i32
        %sub3A_168 = arith.constant 1 : i32
        %sub3A_169 = arith.subi %add3A_167, %sub3A_168 : i32
        %jit3A_170 = arith.constant 4 : i32
        %eq3A_171 = arith.constant 0 : i32
        %eq3A_172 = arith.cmpi eq, %jit3A_170, %eq3A_171 : i32
        %jit3A_173 = arith.constant 1 : i32
        %select_n3A_174 = arith.select %eq3A_172, %jit3A_173, %jit3A_170 : i32
        %rem3A_175 = arith.remsi %sub3A_169, %select_n3A_174 : i32
        %ne3A_176 = arith.constant 0 : i32
        %ne3A_177 = arith.cmpi ne, %rem3A_175, %ne3A_176 : i32
        %lt3A_178 = arith.constant 0 : i32
        %lt3A_179 = arith.cmpi slt, %rem3A_175, %lt3A_178 : i32
        %lt3A_180 = arith.constant 0 : i32
        %lt3A_181 = arith.cmpi slt, %select_n3A_174, %lt3A_180 : i32
        %ne3A_182 = arith.xori %lt3A_179, %lt3A_181 : i1
        %and3A_183 = arith.andi %ne3A_182, %ne3A_177 : i1
        %add3A_184 = arith.addi %rem3A_175, %select_n3A_174 : i32
        %select_n3A_185 = arith.select %and3A_183, %add3A_184, %rem3A_175 : i32
        %add3A_186 = arith.constant 240 : i32
        %add3A_187 = arith.addi %add3A_186, %arg1 : i32
        %mul3A_188 = arith.constant 16 : i32
        %mul3A_189 = arith.muli %sub3A_165, %mul3A_188 : i32
        %add3A_190 = arith.addi %add3A_187, %mul3A_189 : i32
        %mul3A_191 = arith.constant 128 : i32
        %mul3A_192 = arith.muli %add3A_190, %mul3A_191 : i32
        %dma_start3A_193 = arith.constant 0 : i32
        %dma_start3A_194 = tpu.memref_slice %arg6[%select_n3A_185, %dma_start3A_193] : memref<4x128xi32, #tpu.memory_space<vmem>> -> memref<1x128xi32, #tpu.memory_space<vmem>>
        %dma_start3A_195 = tpu.memref_squeeze %dma_start3A_194 : memref<1x128xi32, #tpu.memory_space<vmem>> -> memref<128xi32, #tpu.memory_space<vmem>>
        %dma_start3A_196 = tpu.memref_slice %arg3[%mul3A_192] : memref<50000xi32, #tpu.memory_space<hbm>> -> memref<128xi32, #tpu.memory_space<hbm>>
        %dma_start3A_197 = arith.constant 0 : i32
        %dma_start3A_198 = tpu.memref_slice %arg6[%select_n3A_185, %dma_start3A_197] : memref<4x128xi32, #tpu.memory_space<vmem>> -> memref<1x128xi32, #tpu.memory_space<vmem>>
        %dma_start3A_199 = tpu.memref_squeeze %dma_start3A_198 : memref<1x128xi32, #tpu.memory_space<vmem>> -> memref<128xi32, #tpu.memory_space<vmem>>
        %dma_start3A_200 = tpu.memref_slice %arg3[%mul3A_192] : memref<50000xi32, #tpu.memory_space<hbm>> -> memref<128xi32, #tpu.memory_space<hbm>>
        tpu.enqueue_dma source(%dma_start3A_200 : memref<128xi32, #tpu.memory_space<hbm>>) target(%dma_start3A_199 : memref<128xi32, #tpu.memory_space<vmem>>) target_semaphore(%arg11 : memref<!tpu.dma_semaphore, #tpu.memory_space<semaphore_mem>>)
        %dma_start3A_201 = arith.constant 0 : i32
        %dma_start3A_202 = arith.constant 0 : i32
        %dma_start3A_203 = tpu.memref_slice %arg5[%select_n3A_185, %dma_start3A_201, %dma_start3A_202] : memref<4x128x128xf32, #tpu.memory_space<vmem>> -> memref<1x128x128xf32, #tpu.memory_space<vmem>>
        %dma_start3A_204 = tpu.memref_squeeze %dma_start3A_203 : memref<1x128x128xf32, #tpu.memory_space<vmem>> -> memref<128x128xf32, #tpu.memory_space<vmem>>
        %dma_start3A_205 = tpu.memref_slice %arg2[%mul3A_192, %mul3A_0] : memref<50000x256xf32, #tpu.memory_space<hbm>> -> memref<128x128xf32, #tpu.memory_space<hbm>>
        %dma_start3A_206 = arith.constant 0 : i32
        %dma_start3A_207 = arith.constant 0 : i32
        %dma_start3A_208 = tpu.memref_slice %arg5[%select_n3A_185, %dma_start3A_206, %dma_start3A_207] : memref<4x128x128xf32, #tpu.memory_space<vmem>> -> memref<1x128x128xf32, #tpu.memory_space<vmem>>
        %dma_start3A_209 = tpu.memref_squeeze %dma_start3A_208 : memref<1x128x128xf32, #tpu.memory_space<vmem>> -> memref<128x128xf32, #tpu.memory_space<vmem>>
        %dma_start3A_210 = tpu.memref_slice %arg2[%mul3A_192, %mul3A_0] : memref<50000x256xf32, #tpu.memory_space<hbm>> -> memref<128x128xf32, #tpu.memory_space<hbm>>
        tpu.enqueue_dma source(%dma_start3A_210 : memref<128x128xf32, #tpu.memory_space<hbm>>) target(%dma_start3A_209 : memref<128x128xf32, #tpu.memory_space<vmem>>) target_semaphore(%arg11 : memref<!tpu.dma_semaphore, #tpu.memory_space<semaphore_mem>>)
      } else {
      }
      %add3A_127 = arith.constant 240 : i32
      %add3A_128 = arith.addi %add3A_127, %arg1 : i32
      %mul3A_129 = arith.constant 16 : i32
      %mul3A_130 = arith.muli %while3A_97, %mul3A_129 : i32
      %add3A_131 = arith.addi %add3A_128, %mul3A_130 : i32
      %mul3A_132 = arith.constant 128 : i32
      %mul3A_133 = arith.muli %add3A_131, %mul3A_132 : i32
      %dma_wait3A_134 = arith.constant 0 : i32
      %dma_wait3A_135 = tpu.memref_slice %arg6[%select_n3A_114, %dma_wait3A_134] : memref<4x128xi32, #tpu.memory_space<vmem>> -> memref<1x128xi32, #tpu.memory_space<vmem>>
      %dma_wait3A_136 = tpu.memref_squeeze %dma_wait3A_135 : memref<1x128xi32, #tpu.memory_space<vmem>> -> memref<128xi32, #tpu.memory_space<vmem>>
      %dma_wait3A_137 = tpu.memref_slice %arg3[%mul3A_133] : memref<50000xi32, #tpu.memory_space<hbm>> -> memref<128xi32, #tpu.memory_space<hbm>>
      %dma_wait3A_138 = arith.constant 0 : i32
      %dma_wait3A_139 = tpu.memref_slice %arg6[%select_n3A_114, %dma_wait3A_138] : memref<4x128xi32, #tpu.memory_space<vmem>> -> memref<1x128xi32, #tpu.memory_space<vmem>>
      %dma_wait3A_140 = tpu.memref_squeeze %dma_wait3A_139 : memref<1x128xi32, #tpu.memory_space<vmem>> -> memref<128xi32, #tpu.memory_space<vmem>>
      %dma_wait3A_141 = tpu.memref_slice %arg3[%mul3A_133] : memref<50000xi32, #tpu.memory_space<hbm>> -> memref<128xi32, #tpu.memory_space<hbm>>
      tpu.wait_dma2 semaphore(%arg11 : memref<!tpu.dma_semaphore, #tpu.memory_space<semaphore_mem>>) src(%dma_wait3A_141 : memref<128xi32, #tpu.memory_space<hbm>>) dst(%dma_wait3A_140 : memref<128xi32, #tpu.memory_space<vmem>>)
      %dma_wait3A_142 = arith.constant 0 : i32
      %dma_wait3A_143 = arith.constant 0 : i32
      %dma_wait3A_144 = tpu.memref_slice %arg5[%select_n3A_114, %dma_wait3A_142, %dma_wait3A_143] : memref<4x128x128xf32, #tpu.memory_space<vmem>> -> memref<1x128x128xf32, #tpu.memory_space<vmem>>
      %dma_wait3A_145 = tpu.memref_squeeze %dma_wait3A_144 : memref<1x128x128xf32, #tpu.memory_space<vmem>> -> memref<128x128xf32, #tpu.memory_space<vmem>>
      %dma_wait3A_146 = tpu.memref_slice %arg2[%mul3A_133, %mul3A_0] : memref<50000x256xf32, #tpu.memory_space<hbm>> -> memref<128x128xf32, #tpu.memory_space<hbm>>
      %dma_wait3A_147 = arith.constant 0 : i32
      %dma_wait3A_148 = arith.constant 0 : i32
      %dma_wait3A_149 = tpu.memref_slice %arg5[%select_n3A_114, %dma_wait3A_147, %dma_wait3A_148] : memref<4x128x128xf32, #tpu.memory_space<vmem>> -> memref<1x128x128xf32, #tpu.memory_space<vmem>>
      %dma_wait3A_150 = tpu.memref_squeeze %dma_wait3A_149 : memref<1x128x128xf32, #tpu.memory_space<vmem>> -> memref<128x128xf32, #tpu.memory_space<vmem>>
      %dma_wait3A_151 = tpu.memref_slice %arg2[%mul3A_133, %mul3A_0] : memref<50000x256xf32, #tpu.memory_space<hbm>> -> memref<128x128xf32, #tpu.memory_space<hbm>>
      tpu.wait_dma2 semaphore(%arg11 : memref<!tpu.dma_semaphore, #tpu.memory_space<semaphore_mem>>) src(%dma_wait3A_151 : memref<128x128xf32, #tpu.memory_space<hbm>>) dst(%dma_wait3A_150 : memref<128x128xf32, #tpu.memory_space<vmem>>)
      %dma_start3A = arith.constant 0 : i32
      %dma_start3A_152 = arith.constant 0 : i32
      %dma_start3A_153 = tpu.memref_slice %arg5[%select_n3A_114, %dma_start3A, %dma_start3A_152] : memref<4x128x128xf32, #tpu.memory_space<vmem>> -> memref<1x128x128xf32, #tpu.memory_space<vmem>>
      %dma_start3A_154 = tpu.memref_squeeze %dma_start3A_153 : memref<1x128x128xf32, #tpu.memory_space<vmem>> -> memref<128x128xf32, #tpu.memory_space<vmem>>
      %dma_start3A_155 = arith.constant 0 : i32
      %dma_start3A_156 = tpu.memref_slice %arg6[%select_n3A_114, %dma_start3A_155] : memref<4x128xi32, #tpu.memory_space<vmem>> -> memref<1x128xi32, #tpu.memory_space<vmem>>
      %dma_start3A_157 = tpu.memref_squeeze %dma_start3A_156 : memref<1x128xi32, #tpu.memory_space<vmem>> -> memref<128xi32, #tpu.memory_space<vmem>>
      %dma_start3A_158 = arith.constant 0 : i32
      %dma_start3A_159 = arith.constant 0 : i32
      %dma_start3A_160 = tpu.memref_slice %arg9[%dma_start3A_158, %dma_start3A_159] : memref<128x128xf32, #tpu.memory_space<vmem_shared>> -> memref<128x128xf32, #tpu.memory_space<vmem_shared>>
      tpu.enqueue_indirect_dma source(%dma_start3A_154 : memref<128x128xf32, #tpu.memory_space<vmem>>) target(%dma_start3A_160 : memref<128x128xf32, #tpu.memory_space<vmem_shared>>) offsets(%dma_start3A_157 : memref<128xi32, #tpu.memory_space<vmem>>) semaphore(%arg12 : memref<!tpu.dma_semaphore, #tpu.memory_space<semaphore_mem>>) {add = true}
      %while3A_161 = arith.constant 0 : i32
      scf.yield %while3A_161 : i32
    }
    %while3A_61 = arith.constant 1 : i32
    %while3A_62 = scf.for %while3A_97 = %while3A_58 to %while3A_54 step %while3A_61 iter_args(%while3A_98 = %while3A_60) -> (i32)  : i32 {
      %jit3A_99 = arith.constant 4 : i32
      %eq3A_100 = arith.constant 0 : i32
      %eq3A_101 = arith.cmpi eq, %jit3A_99, %eq3A_100 : i32
      %jit3A_102 = arith.constant 1 : i32
      %select_n3A_103 = arith.select %eq3A_101, %jit3A_102, %jit3A_99 : i32
      %rem3A_104 = arith.remsi %while3A_97, %select_n3A_103 : i32
      %ne3A_105 = arith.constant 0 : i32
      %ne3A_106 = arith.cmpi ne, %rem3A_104, %ne3A_105 : i32
      %lt3A_107 = arith.constant 0 : i32
      %lt3A_108 = arith.cmpi slt, %rem3A_104, %lt3A_107 : i32
      %lt3A_109 = arith.constant 0 : i32
      %lt3A_110 = arith.cmpi slt, %select_n3A_103, %lt3A_109 : i32
      %ne3A_111 = arith.xori %lt3A_108, %lt3A_110 : i1
      %and3A_112 = arith.andi %ne3A_111, %ne3A_106 : i1
      %add3A_113 = arith.addi %rem3A_104, %select_n3A_103 : i32
      %select_n3A_114 = arith.select %and3A_112, %add3A_113, %rem3A_104 : i32
      %ge3A = arith.constant 1 : i32
      %ge3A_115 = arith.cmpi sge, %while3A_97, %ge3A : i32
      %convert_element_type3A_116 = arith.extui %ge3A_115 : i1 to i32
      %cond3A_117 = arith.constant 0 : i32
      %cond3A_118 = arith.cmpi ne, %convert_element_type3A_116, %cond3A_117 : i32
      scf.if %cond3A_118 {
        %sub3A_162 = arith.constant 1 : i32
        %sub3A_163 = arith.subi %while3A_97, %sub3A_162 : i32
        %jit3A_164 = arith.constant 4 : i32
        %eq3A_165 = arith.constant 0 : i32
        %eq3A_166 = arith.cmpi eq, %jit3A_164, %eq3A_165 : i32
        %jit3A_167 = arith.constant 1 : i32
        %select_n3A_168 = arith.select %eq3A_166, %jit3A_167, %jit3A_164 : i32
        %rem3A_169 = arith.remsi %sub3A_163, %select_n3A_168 : i32
        %ne3A_170 = arith.constant 0 : i32
        %ne3A_171 = arith.cmpi ne, %rem3A_169, %ne3A_170 : i32
        %lt3A_172 = arith.constant 0 : i32
        %lt3A_173 = arith.cmpi slt, %rem3A_169, %lt3A_172 : i32
        %lt3A_174 = arith.constant 0 : i32
        %lt3A_175 = arith.cmpi slt, %select_n3A_168, %lt3A_174 : i32
        %ne3A_176 = arith.xori %lt3A_173, %lt3A_175 : i1
        %and3A_177 = arith.andi %ne3A_176, %ne3A_171 : i1
        %add3A_178 = arith.addi %rem3A_169, %select_n3A_168 : i32
        %select_n3A_179 = arith.select %and3A_177, %add3A_178, %rem3A_169 : i32
        %dma_wait3A_180 = arith.constant 0 : i32
        %dma_wait3A_181 = arith.constant 0 : i32
        %dma_wait3A_182 = tpu.memref_slice %arg5[%select_n3A_179, %dma_wait3A_180, %dma_wait3A_181] : memref<4x128x128xf32, #tpu.memory_space<vmem>> -> memref<1x128x128xf32, #tpu.memory_space<vmem>>
        %dma_wait3A_183 = tpu.memref_squeeze %dma_wait3A_182 : memref<1x128x128xf32, #tpu.memory_space<vmem>> -> memref<128x128xf32, #tpu.memory_space<vmem>>
        %dma_wait3A_184 = arith.constant 0 : i32
        %dma_wait3A_185 = tpu.memref_slice %arg6[%select_n3A_179, %dma_wait3A_184] : memref<4x128xi32, #tpu.memory_space<vmem>> -> memref<1x128xi32, #tpu.memory_space<vmem>>
        %dma_wait3A_186 = tpu.memref_squeeze %dma_wait3A_185 : memref<1x128xi32, #tpu.memory_space<vmem>> -> memref<128xi32, #tpu.memory_space<vmem>>
        %dma_wait3A_187 = arith.constant 0 : i32
        %dma_wait3A_188 = arith.constant 0 : i32
        %dma_wait3A_189 = tpu.memref_slice %arg9[%dma_wait3A_187, %dma_wait3A_188] : memref<128x128xf32, #tpu.memory_space<vmem_shared>> -> memref<128x128xf32, #tpu.memory_space<vmem_shared>>
        tpu.wait_indirect_dma semaphore(%arg12 : memref<!tpu.dma_semaphore, #tpu.memory_space<semaphore_mem>>) src(%dma_wait3A_183 : memref<128x128xf32, #tpu.memory_space<vmem>>) dst(%dma_wait3A_189 : memref<128x128xf32, #tpu.memory_space<vmem_shared>>)
      } else {
      }
      %add3A_119 = arith.constant 4 : i32
      %add3A_120 = arith.addi %while3A_97, %add3A_119 : i32
      %sub3A_121 = arith.constant 1 : i32
      %sub3A_122 = arith.subi %add3A_120, %sub3A_121 : i32
      %lt3A_123 = arith.cmpi slt, %sub3A_122, %select_n3A : i32
      %convert_element_type3A_124 = arith.extui %lt3A_123 : i1 to i32
      %cond3A_125 = arith.constant 0 : i32
      %cond3A_126 = arith.cmpi ne, %convert_element_type3A_124, %cond3A_125 : i32
      scf.if %cond3A_126 {
        %add3A_162 = arith.constant 4 : i32
        %add3A_163 = arith.addi %while3A_97, %add3A_162 : i32
        %sub3A_164 = arith.constant 1 : i32
        %sub3A_165 = arith.subi %add3A_163, %sub3A_164 : i32
        %add3A_166 = arith.constant 4 : i32
        %add3A_167 = arith.addi %while3A_97, %add3A_166 : i32
        %sub3A_168 = arith.constant 1 : i32
        %sub3A_169 = arith.subi %add3A_167, %sub3A_168 : i32
        %jit3A_170 = arith.constant 4 : i32
        %eq3A_171 = arith.constant 0 : i32
        %eq3A_172 = arith.cmpi eq, %jit3A_170, %eq3A_171 : i32
        %jit3A_173 = arith.constant 1 : i32
        %select_n3A_174 = arith.select %eq3A_172, %jit3A_173, %jit3A_170 : i32
        %rem3A_175 = arith.remsi %sub3A_169, %select_n3A_174 : i32
        %ne3A_176 = arith.constant 0 : i32
        %ne3A_177 = arith.cmpi ne, %rem3A_175, %ne3A_176 : i32
        %lt3A_178 = arith.constant 0 : i32
        %lt3A_179 = arith.cmpi slt, %rem3A_175, %lt3A_178 : i32
        %lt3A_180 = arith.constant 0 : i32
        %lt3A_181 = arith.cmpi slt, %select_n3A_174, %lt3A_180 : i32
        %ne3A_182 = arith.xori %lt3A_179, %lt3A_181 : i1
        %and3A_183 = arith.andi %ne3A_182, %ne3A_177 : i1
        %add3A_184 = arith.addi %rem3A_175, %select_n3A_174 : i32
        %select_n3A_185 = arith.select %and3A_183, %add3A_184, %rem3A_175 : i32
        %add3A_186 = arith.constant 240 : i32
        %add3A_187 = arith.addi %add3A_186, %arg1 : i32
        %mul3A_188 = arith.constant 16 : i32
        %mul3A_189 = arith.muli %sub3A_165, %mul3A_188 : i32
        %add3A_190 = arith.addi %add3A_187, %mul3A_189 : i32
        %mul3A_191 = arith.constant 128 : i32
        %mul3A_192 = arith.muli %add3A_190, %mul3A_191 : i32
        %dma_start3A_193 = arith.constant 0 : i32
        %dma_start3A_194 = tpu.memref_slice %arg6[%select_n3A_185, %dma_start3A_193] : memref<4x128xi32, #tpu.memory_space<vmem>> -> memref<1x128xi32, #tpu.memory_space<vmem>>
        %dma_start3A_195 = tpu.memref_squeeze %dma_start3A_194 : memref<1x128xi32, #tpu.memory_space<vmem>> -> memref<128xi32, #tpu.memory_space<vmem>>
        %dma_start3A_196 = tpu.memref_slice %arg3[%mul3A_192] : memref<50000xi32, #tpu.memory_space<hbm>> -> memref<128xi32, #tpu.memory_space<hbm>>
        %dma_start3A_197 = arith.constant 0 : i32
        %dma_start3A_198 = tpu.memref_slice %arg6[%select_n3A_185, %dma_start3A_197] : memref<4x128xi32, #tpu.memory_space<vmem>> -> memref<1x128xi32, #tpu.memory_space<vmem>>
        %dma_start3A_199 = tpu.memref_squeeze %dma_start3A_198 : memref<1x128xi32, #tpu.memory_space<vmem>> -> memref<128xi32, #tpu.memory_space<vmem>>
        %dma_start3A_200 = tpu.memref_slice %arg3[%mul3A_192] : memref<50000xi32, #tpu.memory_space<hbm>> -> memref<128xi32, #tpu.memory_space<hbm>>
        tpu.enqueue_dma source(%dma_start3A_200 : memref<128xi32, #tpu.memory_space<hbm>>) target(%dma_start3A_199 : memref<128xi32, #tpu.memory_space<vmem>>) target_semaphore(%arg11 : memref<!tpu.dma_semaphore, #tpu.memory_space<semaphore_mem>>)
        %dma_start3A_201 = arith.constant 0 : i32
        %dma_start3A_202 = arith.constant 0 : i32
        %dma_start3A_203 = tpu.memref_slice %arg5[%select_n3A_185, %dma_start3A_201, %dma_start3A_202] : memref<4x128x128xf32, #tpu.memory_space<vmem>> -> memref<1x128x128xf32, #tpu.memory_space<vmem>>
        %dma_start3A_204 = tpu.memref_squeeze %dma_start3A_203 : memref<1x128x128xf32, #tpu.memory_space<vmem>> -> memref<128x128xf32, #tpu.memory_space<vmem>>
        %dma_start3A_205 = tpu.memref_slice %arg2[%mul3A_192, %mul3A_0] : memref<50000x256xf32, #tpu.memory_space<hbm>> -> memref<128x128xf32, #tpu.memory_space<hbm>>
        %dma_start3A_206 = arith.constant 0 : i32
        %dma_start3A_207 = arith.constant 0 : i32
        %dma_start3A_208 = tpu.memref_slice %arg5[%select_n3A_185, %dma_start3A_206, %dma_start3A_207] : memref<4x128x128xf32, #tpu.memory_space<vmem>> -> memref<1x128x128xf32, #tpu.memory_space<vmem>>
        %dma_start3A_209 = tpu.memref_squeeze %dma_start3A_208 : memref<1x128x128xf32, #tpu.memory_space<vmem>> -> memref<128x128xf32, #tpu.memory_space<vmem>>
        %dma_start3A_210 = tpu.memref_slice %arg2[%mul3A_192, %mul3A_0] : memref<50000x256xf32, #tpu.memory_space<hbm>> -> memref<128x128xf32, #tpu.memory_space<hbm>>
        tpu.enqueue_dma source(%dma_start3A_210 : memref<128x128xf32, #tpu.memory_space<hbm>>) target(%dma_start3A_209 : memref<128x128xf32, #tpu.memory_space<vmem>>) target_semaphore(%arg11 : memref<!tpu.dma_semaphore, #tpu.memory_space<semaphore_mem>>)
      } else {
      }
      %add3A_127 = arith.constant 240 : i32
      %add3A_128 = arith.addi %add3A_127, %arg1 : i32
      %mul3A_129 = arith.constant 16 : i32
      %mul3A_130 = arith.muli %while3A_97, %mul3A_129 : i32
      %add3A_131 = arith.addi %add3A_128, %mul3A_130 : i32
      %mul3A_132 = arith.constant 128 : i32
      %mul3A_133 = arith.muli %add3A_131, %mul3A_132 : i32
      %dma_wait3A_134 = arith.constant 0 : i32
      %dma_wait3A_135 = tpu.memref_slice %arg6[%select_n3A_114, %dma_wait3A_134] : memref<4x128xi32, #tpu.memory_space<vmem>> -> memref<1x128xi32, #tpu.memory_space<vmem>>
      %dma_wait3A_136 = tpu.memref_squeeze %dma_wait3A_135 : memref<1x128xi32, #tpu.memory_space<vmem>> -> memref<128xi32, #tpu.memory_space<vmem>>
      %dma_wait3A_137 = tpu.memref_slice %arg3[%mul3A_133] : memref<50000xi32, #tpu.memory_space<hbm>> -> memref<128xi32, #tpu.memory_space<hbm>>
      %dma_wait3A_138 = arith.constant 0 : i32
      %dma_wait3A_139 = tpu.memref_slice %arg6[%select_n3A_114, %dma_wait3A_138] : memref<4x128xi32, #tpu.memory_space<vmem>> -> memref<1x128xi32, #tpu.memory_space<vmem>>
      %dma_wait3A_140 = tpu.memref_squeeze %dma_wait3A_139 : memref<1x128xi32, #tpu.memory_space<vmem>> -> memref<128xi32, #tpu.memory_space<vmem>>
      %dma_wait3A_141 = tpu.memref_slice %arg3[%mul3A_133] : memref<50000xi32, #tpu.memory_space<hbm>> -> memref<128xi32, #tpu.memory_space<hbm>>
      tpu.wait_dma2 semaphore(%arg11 : memref<!tpu.dma_semaphore, #tpu.memory_space<semaphore_mem>>) src(%dma_wait3A_141 : memref<128xi32, #tpu.memory_space<hbm>>) dst(%dma_wait3A_140 : memref<128xi32, #tpu.memory_space<vmem>>)
      %dma_wait3A_142 = arith.constant 0 : i32
      %dma_wait3A_143 = arith.constant 0 : i32
      %dma_wait3A_144 = tpu.memref_slice %arg5[%select_n3A_114, %dma_wait3A_142, %dma_wait3A_143] : memref<4x128x128xf32, #tpu.memory_space<vmem>> -> memref<1x128x128xf32, #tpu.memory_space<vmem>>
      %dma_wait3A_145 = tpu.memref_squeeze %dma_wait3A_144 : memref<1x128x128xf32, #tpu.memory_space<vmem>> -> memref<128x128xf32, #tpu.memory_space<vmem>>
      %dma_wait3A_146 = tpu.memref_slice %arg2[%mul3A_133, %mul3A_0] : memref<50000x256xf32, #tpu.memory_space<hbm>> -> memref<128x128xf32, #tpu.memory_space<hbm>>
      %dma_wait3A_147 = arith.constant 0 : i32
      %dma_wait3A_148 = arith.constant 0 : i32
      %dma_wait3A_149 = tpu.memref_slice %arg5[%select_n3A_114, %dma_wait3A_147, %dma_wait3A_148] : memref<4x128x128xf32, #tpu.memory_space<vmem>> -> memref<1x128x128xf32, #tpu.memory_space<vmem>>
      %dma_wait3A_150 = tpu.memref_squeeze %dma_wait3A_149 : memref<1x128x128xf32, #tpu.memory_space<vmem>> -> memref<128x128xf32, #tpu.memory_space<vmem>>
      %dma_wait3A_151 = tpu.memref_slice %arg2[%mul3A_133, %mul3A_0] : memref<50000x256xf32, #tpu.memory_space<hbm>> -> memref<128x128xf32, #tpu.memory_space<hbm>>
      tpu.wait_dma2 semaphore(%arg11 : memref<!tpu.dma_semaphore, #tpu.memory_space<semaphore_mem>>) src(%dma_wait3A_151 : memref<128x128xf32, #tpu.memory_space<hbm>>) dst(%dma_wait3A_150 : memref<128x128xf32, #tpu.memory_space<vmem>>)
      %dma_start3A = arith.constant 0 : i32
      %dma_start3A_152 = arith.constant 0 : i32
      %dma_start3A_153 = tpu.memref_slice %arg5[%select_n3A_114, %dma_start3A, %dma_start3A_152] : memref<4x128x128xf32, #tpu.memory_space<vmem>> -> memref<1x128x128xf32, #tpu.memory_space<vmem>>
      %dma_start3A_154 = tpu.memref_squeeze %dma_start3A_153 : memref<1x128x128xf32, #tpu.memory_space<vmem>> -> memref<128x128xf32, #tpu.memory_space<vmem>>
      %dma_start3A_155 = arith.constant 0 : i32
      %dma_start3A_156 = tpu.memref_slice %arg6[%select_n3A_114, %dma_start3A_155] : memref<4x128xi32, #tpu.memory_space<vmem>> -> memref<1x128xi32, #tpu.memory_space<vmem>>
      %dma_start3A_157 = tpu.memref_squeeze %dma_start3A_156 : memref<1x128xi32, #tpu.memory_space<vmem>> -> memref<128xi32, #tpu.memory_space<vmem>>
      %dma_start3A_158 = arith.constant 0 : i32
      %dma_start3A_159 = arith.constant 0 : i32
      %dma_start3A_160 = tpu.memref_slice %arg9[%dma_start3A_158, %dma_start3A_159] : memref<128x128xf32, #tpu.memory_space<vmem_shared>> -> memref<128x128xf32, #tpu.memory_space<vmem_shared>>
      tpu.enqueue_indirect_dma source(%dma_start3A_154 : memref<128x128xf32, #tpu.memory_space<vmem>>) target(%dma_start3A_160 : memref<128x128xf32, #tpu.memory_space<vmem_shared>>) offsets(%dma_start3A_157 : memref<128xi32, #tpu.memory_space<vmem>>) semaphore(%arg12 : memref<!tpu.dma_semaphore, #tpu.memory_space<semaphore_mem>>) {add = true}
      %while3A_161 = arith.constant 0 : i32
      scf.yield %while3A_161 : i32
    }
    %sub3A_63 = arith.constant 1 : i32
    %sub3A_64 = arith.subi %select_n3A, %sub3A_63 : i32
    %jit3A_65 = arith.constant 4 : i32
    %eq3A_66 = arith.constant 0 : i32
    %eq3A_67 = arith.cmpi eq, %jit3A_65, %eq3A_66 : i32
    %jit3A_68 = arith.constant 1 : i32
    %select_n3A_69 = arith.select %eq3A_67, %jit3A_68, %jit3A_65 : i32
    %rem3A_70 = arith.remsi %sub3A_64, %select_n3A_69 : i32
    %ne3A_71 = arith.constant 0 : i32
    %ne3A_72 = arith.cmpi ne, %rem3A_70, %ne3A_71 : i32
    %lt3A = arith.constant 0 : i32
    %lt3A_73 = arith.cmpi slt, %rem3A_70, %lt3A : i32
    %lt3A_74 = arith.constant 0 : i32
    %lt3A_75 = arith.cmpi slt, %select_n3A_69, %lt3A_74 : i32
    %ne3A_76 = arith.xori %lt3A_73, %lt3A_75 : i1
    %and3A_77 = arith.andi %ne3A_76, %ne3A_72 : i1
    %add3A_78 = arith.addi %rem3A_70, %select_n3A_69 : i32
    %select_n3A_79 = arith.select %and3A_77, %add3A_78, %rem3A_70 : i32
    %dma_wait3A = arith.constant 0 : i32
    %dma_wait3A_80 = arith.constant 0 : i32
    %dma_wait3A_81 = tpu.memref_slice %arg5[%select_n3A_79, %dma_wait3A, %dma_wait3A_80] : memref<4x128x128xf32, #tpu.memory_space<vmem>> -> memref<1x128x128xf32, #tpu.memory_space<vmem>>
    %dma_wait3A_82 = tpu.memref_squeeze %dma_wait3A_81 : memref<1x128x128xf32, #tpu.memory_space<vmem>> -> memref<128x128xf32, #tpu.memory_space<vmem>>
    %dma_wait3A_83 = arith.constant 0 : i32
    %dma_wait3A_84 = tpu.memref_slice %arg6[%select_n3A_79, %dma_wait3A_83] : memref<4x128xi32, #tpu.memory_space<vmem>> -> memref<1x128xi32, #tpu.memory_space<vmem>>
    %dma_wait3A_85 = tpu.memref_squeeze %dma_wait3A_84 : memref<1x128xi32, #tpu.memory_space<vmem>> -> memref<128xi32, #tpu.memory_space<vmem>>
    %dma_wait3A_86 = arith.constant 0 : i32
    %dma_wait3A_87 = arith.constant 0 : i32
    %dma_wait3A_88 = tpu.memref_slice %arg9[%dma_wait3A_86, %dma_wait3A_87] : memref<128x128xf32, #tpu.memory_space<vmem_shared>> -> memref<128x128xf32, #tpu.memory_space<vmem_shared>>
    tpu.wait_indirect_dma semaphore(%arg12 : memref<!tpu.dma_semaphore, #tpu.memory_space<semaphore_mem>>) src(%dma_wait3A_82 : memref<128x128xf32, #tpu.memory_space<vmem>>) dst(%dma_wait3A_88 : memref<128x128xf32, #tpu.memory_space<vmem_shared>>)
    %eq3A_89 = arith.constant 15 : i32
    %eq3A_90 = arith.cmpi eq, %arg1, %eq3A_89 : i32
    %convert_element_type3A_91 = arith.extui %eq3A_90 : i1 to i32
    %cond3A_92 = arith.constant 0 : i32
    %cond3A_93 = arith.cmpi ne, %convert_element_type3A_91, %cond3A_92 : i32
    scf.if %cond3A_93 {
      %dma_wait3A_97 = arith.constant 0 : i32
      %dma_wait3A_98 = arith.constant 0 : i32
      %dma_wait3A_99 = tpu.memref_slice %arg9[%dma_wait3A_97, %dma_wait3A_98] : memref<128x128xf32, #tpu.memory_space<vmem_shared>> -> memref<128x128xf32, #tpu.memory_space<vmem_shared>>
      tpu.wait_indirect_dma semaphore(%arg13 : memref<!tpu.dma_semaphore, #tpu.memory_space<semaphore_mem>>) src(%arg7 : memref<80x128xf32, #tpu.memory_space<vmem>>) dst(%dma_wait3A_99 : memref<128x128xf32, #tpu.memory_space<vmem_shared>>)
    } else {
    }
    %barrier3A_94 = arith.constant 0 : index
    tpu.barrier barrier_id(%barrier3A_94)
    %mul3A_95 = arith.constant 8 : i32
    %mul3A_96 = arith.muli %arg1, %mul3A_95 : i32
    "tpu.region"() ({
      %run_scoped3A = tpu.sem_alloc : memref<!tpu.dma_semaphore, #tpu.memory_space<semaphore_mem>>
      %dma_start3A = tpu.memref_slice %arg4[%mul3A_96, %mul3A_0] : memref<128x256xf32, #tpu.memory_space<hbm>> -> memref<8x128xf32, #tpu.memory_space<hbm>>
      %dma_start3A_97 = arith.constant 0 : i32
      %dma_start3A_98 = tpu.memref_slice %arg9[%mul3A_96, %dma_start3A_97] : memref<128x128xf32, #tpu.memory_space<vmem_shared>> -> memref<8x128xf32, #tpu.memory_space<vmem_shared>>
      tpu.enqueue_dma source(%dma_start3A_98 : memref<8x128xf32, #tpu.memory_space<vmem_shared>>) target(%dma_start3A : memref<8x128xf32, #tpu.memory_space<hbm>>) target_semaphore(%run_scoped3A : memref<!tpu.dma_semaphore, #tpu.memory_space<semaphore_mem>>)
      %dma_wait3A_99 = tpu.memref_slice %arg4[%mul3A_96, %mul3A_0] : memref<128x256xf32, #tpu.memory_space<hbm>> -> memref<8x128xf32, #tpu.memory_space<hbm>>
      %dma_wait3A_100 = arith.constant 0 : i32
      %dma_wait3A_101 = tpu.memref_slice %arg9[%mul3A_96, %dma_wait3A_100] : memref<128x128xf32, #tpu.memory_space<vmem_shared>> -> memref<8x128xf32, #tpu.memory_space<vmem_shared>>
      tpu.wait_dma2 semaphore(%run_scoped3A : memref<!tpu.dma_semaphore, #tpu.memory_space<semaphore_mem>>) src(%dma_wait3A_101 : memref<8x128xf32, #tpu.memory_space<vmem_shared>>) dst(%dma_wait3A_99 : memref<8x128xf32, #tpu.memory_space<hbm>>)
      tpu.yield
    }) : () -> ()
    return
  }
}

module attributes {stable_mosaic.version = 14 : i64} {
  func.func @_tc_body(%arg0: i32, %arg1: memref<3072xi32, #tpu.memory_space<vmem>>, %arg2: memref<3072x256xf32, #tpu.memory_space<vmem>>, %arg3: memref<128x256xf32, #tpu.memory_space<vmem>>) attributes {dimension_semantics = [#tpu.dimension_semantics<arbitrary>], iteration_bounds = array<i64: 10>, scalar_prefetch = 0 : i64, scratch_operands = 0 : i64, tpu.core_type = #tpu.core_type<tc>, window_params = [{transform_indices = @transform_0, window_bounds = array<i64: 3072>}, {transform_indices = @transform_1, window_bounds = array<i64: 3072, 256>}, {pipeline_mode = #tpu.pipeline_mode<synchronous>, transform_indices = @transform_2, window_bounds = array<i64: 128, 256>}]} {
    %get3A = arith.constant 0 : index
    %get3A_0 = vector.load %arg1[%get3A] : memref<3072xi32, #tpu.memory_space<vmem>>, vector<3072xi32>
    %iota3A = tpu.iota {dimensions = array<i32: 0>} : vector<128x3072xi32>
    %broadcast_in_dim3A = vector.shape_cast %get3A_0 : vector<3072xi32> to vector<1x3072xi32>
    %eq3A = vector.broadcast %broadcast_in_dim3A : vector<1x3072xi32> to vector<128x3072xi32>
    %eq3A_1 = arith.cmpi eq, %iota3A, %eq3A : vector<128x3072xi32>
    %convert_element_type3A = arith.extui %eq3A_1 : vector<128x3072xi1> to vector<128x3072xi32>
    %convert_element_type3A_2 = arith.sitofp %convert_element_type3A : vector<128x3072xi32> to vector<128x3072xf32>
    %get3A_3 = arith.constant 0 : index
    %get3A_4 = arith.constant 0 : index
    %get3A_5 = vector.load %arg2[%get3A_3, %get3A_4] : memref<3072x256xf32, #tpu.memory_space<vmem>>, vector<3072x256xf32>
    %dot_general3A = arith.constant dense<0.000000e+00> : vector<128x256xf32>
    %dot_general3A_6 = tpu.matmul %convert_element_type3A_2, %get3A_5, %dot_general3A {dimension_numbers = #tpu.dot_dimension_numbers<[1], [0], [0], [1], [0, 0, 1, 1], [], []>, transpose_lhs_hint = false} : vector<128x3072xf32>, vector<3072x256xf32>, vector<128x256xf32> -> vector<128x256xf32>
    %eq3A_7 = arith.constant 0 : i32
    %eq3A_8 = arith.cmpi eq, %arg0, %eq3A_7 : i32
    %convert_element_type3A_9 = arith.extui %eq3A_8 : i1 to i32
    %cond3A = arith.constant 0 : i32
    %cond3A_10 = arith.cmpi ne, %convert_element_type3A_9, %cond3A : i32
    scf.if %cond3A_10 {
      %swap3A = arith.constant 0 : index
      %swap3A_15 = arith.constant 0 : index
      %swap3A_16 = vector.load %arg3[%swap3A, %swap3A_15] : memref<128x256xf32, #tpu.memory_space<vmem>>, vector<128x256xf32>
      tpu.vector_store %arg3[%swap3A, %swap3A_15], %dot_general3A_6 {strides = array<i32>} : memref<128x256xf32, #tpu.memory_space<vmem>>, vector<128x256xf32>,
    } else {
    }
    %gt3A = arith.constant 0 : i32
    %gt3A_11 = arith.cmpi sgt, %arg0, %gt3A : i32
    %convert_element_type3A_12 = arith.extui %gt3A_11 : i1 to i32
    %cond3A_13 = arith.constant 0 : i32
    %cond3A_14 = arith.cmpi ne, %convert_element_type3A_12, %cond3A_13 : i32
    scf.if %cond3A_14 {
      %get3A_15 = arith.constant 0 : index
      %get3A_16 = arith.constant 0 : index
      %get3A_17 = vector.load %arg3[%get3A_15, %get3A_16] : memref<128x256xf32, #tpu.memory_space<vmem>>, vector<128x256xf32>
      %add3A = arith.addf %get3A_17, %dot_general3A_6 : vector<128x256xf32>
      %swap3A = arith.constant 0 : index
      %swap3A_18 = arith.constant 0 : index
      %swap3A_19 = vector.load %arg3[%swap3A, %swap3A_18] : memref<128x256xf32, #tpu.memory_space<vmem>>, vector<128x256xf32>
      tpu.vector_store %arg3[%swap3A, %swap3A_18], %add3A {strides = array<i32>} : memref<128x256xf32, #tpu.memory_space<vmem>>, vector<128x256xf32>,
    } else {
    }
    return
  }
  func.func @transform_0(%arg0: i32) -> i32 {
    %c0_i32 = arith.constant 0 : i32
    return %arg0 : i32
  }
  func.func @transform_1(%arg0: i32) -> (i32, i32) {
    %c0_i32 = arith.constant 0 : i32
    %c0_i32_0 = arith.constant 0 : i32
    return %arg0, %c0_i32 : i32, i32
  }
  func.func @transform_2(%arg0: i32) -> (i32, i32) {
    %c0_i32 = arith.constant 0 : i32
    %c0_i32_0 = arith.constant 0 : i32
    %c0_i32_1 = arith.constant 0 : i32
    return %c0_i32, %c0_i32_0 : i32, i32
  }
}

module attributes {stable_mosaic.version = 14 : i64} {
  func.func @_add_body(%arg0: memref<128x256xf32, #tpu.memory_space<vmem>>, %arg1: memref<128x256xf32, #tpu.memory_space<vmem>>, %arg2: memref<128x256xf32, #tpu.memory_space<vmem>>) attributes {dimension_semantics = [], scalar_prefetch = 0 : i64, scratch_operands = 0 : i64, tpu.core_type = #tpu.core_type<tc>} {
    %get3A = arith.constant 0 : index
    %get3A_0 = arith.constant 0 : index
    %get3A_1 = vector.load %arg0[%get3A, %get3A_0] : memref<128x256xf32, #tpu.memory_space<vmem>>, vector<128x256xf32>
    %get3A_2 = arith.constant 0 : index
    %get3A_3 = arith.constant 0 : index
    %get3A_4 = vector.load %arg1[%get3A_2, %get3A_3] : memref<128x256xf32, #tpu.memory_space<vmem>>, vector<128x256xf32>
    %add3A = arith.addf %get3A_1, %get3A_4 : vector<128x256xf32>
    %swap3A = arith.constant 0 : index
    %swap3A_5 = arith.constant 0 : index
    %swap3A_6 = vector.load %arg2[%swap3A, %swap3A_5] : memref<128x256xf32, #tpu.memory_space<vmem>>, vector<128x256xf32>
    tpu.vector_store %arg2[%swap3A, %swap3A_5], %add3A {strides = array<i32>} : memref<128x256xf32, #tpu.memory_space<vmem>>, vector<128x256xf32>,
    return
  }
}

</mosaic_0001>

<sc_bundles>
// kernel: _sumpool.5.cloned.1.call-start
scs
__scs_entry_jumppad:
0x0: {  	(pc) =	sbr.rel $0x88, $3  }
0x1: {  	(tag) =	ssettag $0x0;
	lr =	simm.s32 $0x1  }
0x2: {  	[smem:$0x3F9F] =	sst lr;
	_ =	strace $0xD0000000  }
0x3: {  	_ = 	snop  }
0x4: {  	_ = 	snop  }
0x5: {  	_ = 	snop  }
0x6: {  	_ = 	snop  }
0x7: {  	_ = 	snop  }
__scs_overlays_trampoline_lowered:
0x8: {  	[smem:$0x3FAE] =	sst s0  }
0x9: {  	[smem:$0x3FAF] =	sst s1  }
0xa: {  	[smem:$0x3FB0] =	sst s2  }
0xb: {  	[smem:$0x3FB1] =	sst s3  }
0xc: {  	[smem:$0x3FB2] =	sst s4  }
0xd: {  	[smem:$0x3FB3] =	sst s5  }
0xe: {  	[smem:$0x3FB4] =	sst s6  }
0xf: {  	[smem:$0x3FB5] =	sst s7  }
0x10: {  	[smem:$0x3FB6] =	sst s8  }
0x11: {  	[smem:$0x3FB7] =	sst s9;
	s0 =	simm.s32 @!p0 $0x0  }
0x12: {  	s1 =	sld [smem:$0x3F9D];
	s0 =	simm.s32 @p0 $0x1  }
0x13: {  	[smem:$0x3FB8] =	sst s0;
	s0 =	simm.s32 @!p1 $0x0  }
0x14: {  	s2 =	sld [smem:$0x3F9C];
	s0 =	simm.s32 @p1 $0x1  }
0x15: {  	[smem:$0x3FB9] =	sst s0;
	s0 =	simm.s32 @!p2 $0x0  }
0x16: {  	s3 =	sld [smem:$0x3FDB];
	s0 =	simm.s32 @p2 $0x1  }
0x17: {  	s4 =	simm.s32 $0x1BF5;
	[smem:$0x3FBB] =	sst s0  }
0x18: {  	s0 =	sld [smem:$0x3F9E];
	_ =	swait.ge [sflag:s4], $0x0  }
0x19: {  	s7 =	sld [smem:$0x3F9F]  }
0x1a: {  	s8 =	sadd.s32 $0xFFFFE003, lr  }
0x1b: {  	s9 =	sadd.s32 $0xFFFFFEF7, lr;
	s5 =	simm.s32 $0xFFFFFFFF;
	p2 =	slt.u32 s8, $0xFFFFF086  }
0x1c: {  	p1 =	slt.u32 s9, $0xF7A;
	s5 =	simm.s32 @!p2 $0x0  }
0x1d: {  	s5 =	simm.s32 @p1 $0x1;
	p0 =	seq.s32 s7, s2  }
0x1e: {  	s7 =	smul.u32 @!p0 $0xF7A, s2;
	p2 =	seq.s32 @!p0 s5, $0x0  }
0x1f: {  	s9 =	smul.u32 $0xF7A, s1;
	s8 =	simm.s32 @!p0 $0x1BF5;
	p2 =	por !p2, p0  }
0x20: {  	[sflag:s8] =	ssyncset.s32 @!p0 $0xFFFFF086;
	s6 =	sadd.s32 @!p0 s3, s7;
	s7 =	simm.s32 @!p0 $0x108  }
0x21: {  	s3 =	sadd.s32 s3, s9;
	s6 =	sadd.s32 @!p0 $0x88, s6;
	s7 =	simm.s32 @p2 $0x1082  }
0x22: {  	[simem:s7], [sflag:s8] =	dma.local @!p0 [hbm:s6], $0xF7A  }
0x23: {  	s9 =	sor.u32 $0xD0000000, s2;
	s6 =	simm.s32 $0x108;
	_ =	swait.ge @!p0 [sflag:s8], $0x0  }
0x24: {  	s3 =	sadd.s32 $0x88, s3;
	s6 =	simm.s32 @!p1 $0x1082;
	[sflag:s4] =	ssyncset.s32 $0xFFFFF086  }
0x25: {  	[simem:s6], [sflag:s4] =	dma.local [hbm:s3], $0xF7A  }
0x26: {  	[smem:$0x3F9F] =	sst s1;
	(tag) =	ssettag s2;
	_ =	strace s9  }
0x27: {  	s1 =	sld [smem:$0x3FAF]  }
0x28: {  	s2 =	sld [smem:$0x3FB0]  }
0x29: {  	s4 =	sld [smem:$0x3FB2]  }
0x2a: {  	p0 =	seq.s32 s5, $0x0;
	s5 =	sld [smem:$0x3FB3]  }
0x2b: {  	s6 =	sld [smem:$0x3FB4]  }
0x2c: {  	s7 =	sld [smem:$0x3FB5]  }
0x2d: {  	s3 =	simm.s32 $0x108;
	s8 =	sld [smem:$0x3FB6]  }
0x2e: {  	s3 =	simm.s32 @!p0 $0x1082;
	s9 =	sld [smem:$0x3FB7]  }
0x2f: {  	lr =	sadd.s32 s0, s3;
	s0 =	sld [smem:$0x3FAE]  }
0x30: {  	s3 =	sld [smem:$0x3FB1]  }
0x31: {  	[smem:$0x3FBA] =	sst s10  }
0x32: {  	s10 =	sld [smem:$0x3FB8];
	_ =	sdelay $0x3  }
0x33: {  	p0 =	seq.s32 s10, $0x1;
	s10 =	sld [smem:$0x3FBA];
	_ =	sdelay $0x3  }
0x34: {  	[smem:$0x3FBA] =	sst s10  }
0x35: {  	s10 =	sld [smem:$0x3FB9];
	_ =	sdelay $0x3  }
0x36: {  	p1 =	seq.s32 s10, $0x1;
	s10 =	sld [smem:$0x3FBA];
	_ =	sdelay $0x3  }
0x37: {  	[smem:$0x3FBA] =	sst s10  }
0x38: {  	s10 =	sld [smem:$0x3FBB]  }
0x39: {  	_ = 	snop;
	(pc) =	sbr.ind lr, $3  }
0x3a: {  	_ = 	snop  }
0x3b: {  	_ = 	snop  }
0x3c: {  	p2 =	seq.s32 s10, $0x1;
	s10 =	sld [smem:$0x3FBA]  }
0x3d: {  	_ =	shalt  }
0x3e: {  	_ =	shalt  }
0x3f: {  	_ =	shalt  }
0x40: {  	_ =	shalt  }
0x41: {  	_ =	shalt  }
0x42: {  	_ =	shalt  }
0x43: {  	_ =	shalt  }
0x44: {  	_ =	shalt  }
0x45: {  	_ =	shalt  }
0x46: {  	_ =	shalt  }
0x47: {  	_ =	shalt  }
0x48: {  	_ =	shalt  }
0x49: {  	_ =	shalt  }
0x4a: {  	_ =	shalt  }
0x4b: {  	_ =	shalt  }
0x4c: {  	_ =	shalt  }
0x4d: {  	_ =	shalt  }
0x4e: {  	_ =	shalt  }
0x4f: {  	_ =	shalt  }
0x50: {  	_ =	shalt  }
0x51: {  	_ =	shalt  }
0x52: {  	_ =	shalt  }
0x53: {  	_ =	shalt  }
0x54: {  	_ =	shalt  }
0x55: {  	_ =	shalt  }
0x56: {  	_ =	shalt  }
0x57: {  	_ =	shalt  }
0x58: {  	_ =	shalt  }
0x59: {  	_ =	shalt  }
0x5a: {  	_ =	shalt  }
0x5b: {  	_ =	shalt  }
0x5c: {  	_ =	shalt  }
0x5d: {  	_ =	shalt  }
0x5e: {  	_ =	shalt  }
0x5f: {  	_ =	shalt  }
0x60: {  	_ =	shalt  }
0x61: {  	_ =	shalt  }
0x62: {  	_ =	shalt  }
0x63: {  	_ =	shalt  }
0x64: {  	_ =	shalt  }
0x65: {  	_ =	shalt  }
0x66: {  	_ =	shalt  }
0x67: {  	_ =	shalt  }
0x68: {  	_ =	shalt  }
0x69: {  	_ =	shalt  }
0x6a: {  	_ =	shalt  }
0x6b: {  	_ =	shalt  }
0x6c: {  	_ =	shalt  }
0x6d: {  	_ =	shalt  }
0x6e: {  	_ =	shalt  }
0x6f: {  	_ =	shalt  }
0x70: {  	_ =	shalt  }
0x71: {  	_ =	shalt  }
0x72: {  	_ =	shalt  }
0x73: {  	_ =	shalt  }
0x74: {  	_ =	shalt  }
0x75: {  	_ =	shalt  }
0x76: {  	_ =	shalt  }
0x77: {  	_ =	shalt  }
0x78: {  	_ =	shalt  }
0x79: {  	_ =	shalt  }
0x7a: {  	_ =	shalt  }
0x7b: {  	_ =	shalt  }
0x7c: {  	_ =	shalt  }
0x7d: {  	_ =	shalt  }
0x7e: {  	_ =	shalt  }
0x7f: {  	_ =	shalt  }
0x80: {  	_ =	shalt  }
0x81: {  	_ =	shalt  }
0x82: {  	_ =	shalt  }
0x83: {  	_ =	shalt  }
0x84: {  	_ =	shalt  }
0x85: {  	_ =	shalt  }
0x86: {  	_ =	shalt  }
0x87: {  	_ =	shalt  }
.Lfunc_end0:
.L_simem_size_0:
called_computation_lowered:
.L_overlay_start_0:
0x88: {  	s2 =	sld [smem:$0x3FD9]  }
0x89: {  	s3 =	sld [smem:$0x3FFE];
	_ =	sdelay $0x1  }
0x8a: {  	s1 =	srdreg.scid  }
0x8b: {  	s0 =	sand.u32 $0x1, s1  }
0x8c: {  	s18 =	sshll.u32 s0, $0xA;
	s2 =	sadd.s32 s3, s2  }
0x8d: {  	s2 =	sadd.s32 s2, s18  }
0x8e: {  	[smem:$0x3FC6] =	sst s2  }
0x8f: {  	_ = 	snop  }
0x90: {  	s2 =	sld [smem:$0x3FC9]  }
0x91: {  	s19 =	sld [smem:$0x3FC8]  }
0x92: {  	s4 =	sld [smem:$0x3FD0];
	(tm) =	ssettm $0x1  }
0x93: {  	s5 =	sld [smem:$0x3FFB];
	_ =	sdelay $0x3  }
0x94: {  	_ =	strace s5  }
0x95: {  	s5 =	sld [smem:$0x3FFC];
	_ =	sdelay $0x3  }
0x96: {  	_ =	strace s5  }
0x97: {  	s5 =	sld [smem:$0x3FFD];
	_ =	sdelay $0x3  }
0x98: {  	_ =	strace s5  }
0x99: {  	_ =	strace $0x8FFFFFFF  }
0x9a: {  	s20 =	sld [smem:$0x3FDB];
	_ =	sdelay $0x1  }
0x9b: {  	s6 =	simm.s32 $_scs_section_size  }
0x9c: {  	s7 =	simm.s32 $_size__tile_overlayer_lowered;
	s8 =	simm.s32 $_tile_overlayer_lowered  }
0x9d: {  	s23 =	simm.s32 $0x1BFF;
	s22 =	sshll.u32 s8, $0x1;
	s5 =	sadd.s32 s6, s20  }
0x9e: {  	s9 =	simm.s32 $0x0;
	s21 =	sshll.u32 s7, $0x1;
	s7 =	sadd.s32 s22, s5  }
0x9f: {  	[timem:s9], [sflag:s23] =	dma.local [hbm:s7], s21  }
0xa0: {  	_ =	swait.ge [sflag:s23], s21  }
0xa1: {  	s6 =	ssub.s32 $0x0, s21;
	[sflag:s23] =	ssyncset.done $0x0  }
0xa2: {  	[sflag:s23] =	ssyncadd.s32 s6;
	_ =	sdelay $0x1  }
0xa3: {  	s24 =	simm.s32 $0x1B8B  }
0xa4: {  	_ =	swait.ge [sflag:s24], $0x1  }
0xa5: {  	[sflag:s24] =	ssyncset.done $0x0  }
0xa6: {  	s25 =	simm.s32 $0x1B8E;
	[sflag:s24] =	ssyncadd.s32 $0xFFFFFFFF  }
0xa7: {  	s26 =	simm.s32 $execute0_lowered;
	[smem:$0x3FD2] =	sst s25  }
0xa8: {  	s6 =	sshll.u32 s26, $0x1;
	_ =	strace $0x80000046;
	[dreg:$0x1] =	wrdreg $0xFFFFFFFF  }
0xa9: {  	s28 =	simm.s32 $_size_execute0_lowered;
	s5 =	sadd.s32 s5, s6;
	[dreg:$0x0] =	wrdreg $0x0  }
0xaa: {  	s6 =	sshll.u32 s28, $0x1;
	[dreg:$0x2] =	wrdreg s5  }
0xab: {  	[dreg:$0x3] =	wrdreg s6  }
0xac: {  	[dreg:$0x4] =	wrdreg $0xC0  }
0xad: {  	_ =	task [dreg:s9], $0x5FFFF  }
0xae: {  	[dreg:$0x1] =	wrdreg $0xFFFFFFFF  }
0xaf: {  	[dreg:$0x0] =	wrdreg $0x60  }
0xb0: {  	[dreg:$0x2] =	wrdreg s2  }
0xb1: {  	[dreg:$0x3] =	wrdreg s19  }
0xb2: {  	[dreg:$0x4] =	wrdreg s4  }
0xb3: {  	[dreg:$0x5] =	wrdreg $0x12A800  }
0xb4: {  	[dreg:$0x6] =	wrdreg $0x9  }
0xb5: {  	_ =	task.clear_ibuf [dreg:s9], $0x7FFFF;
	_ =	strace $0x90000046  }
0xb6: {  	s29 =	simm.s32 $0x9;
	_ =	strace $0x80000048  }
0xb7: {  	_ =	swait.ge [sflag:s29], $0x1  }
0xb8: {  	[sflag:s29] =	ssyncadd.s32 $0xFFFFFFFF  }
0xb9: {  	_ =	strace $0x90000048  }
0xba: {  	_ =	sfence  }
0xbb: {  	s30 =	sld [smem:$0x0];
	_ =	sdelay $0x2  }
0xbc: {  	s31 =	sshll.u32 s1, $0xD;
	s1 =	sshrl.u32 s1, $0x2  }
0xbd: {  	s3 =	sand.u32 $0x4000, s31;
	s1 =	sadd.s32 s1, s30  }
0xbe: {  	s0 =	sor.u32 s3, s0;
	s1 =	sshll.u32 s1, $0x11  }
0xbf: {  	s0 =	sor.u32 s1, s0  }
0xc0: {  	s0 =	sadd.s32 $0x8F2B, s0  }
0xc1: {  	[sflag:s0] =	ssyncadd.remote.s32 $0x1  }
0xc2: {  	_ =	sfence.sel $0xFFFF  }
0xc3: {  	[dreg:$0x0] =	wrdreg $0xFFFFFFFF;
	(pc) =	sbr.abs _section_cstart, $3  }
0xc4: {  	[dreg:$0x1] =	wrdreg $0xFFFFFFFF  }
0xc5: {  	_ =	task.clear_ibuf [dreg:s9], $0x2FFFF;
	_ =	strace $0x9FFFFFFF  }
0xc6: {  	(tm) =	ssettm $0x7FFFFFFF  }
0xc7: {  	_ =	shalt  }
tec
execute0_lowered:
.L_overlay_start_1:
0x0: {  	(tag) =	ssettag $0x1  }
0x1: {  	s0 =	rddreg [dreg:$0x0]  }
0x2: {  	s2 =	rddreg [dreg:$0x1]  }
0x3: {  	s5 =	rddreg [dreg:$0x2]  }
0x4: {  	s1 =	rddreg [dreg:$0x3]  }
0x5: {  	s3 =	srdreg.scid;
	s21 =	stileid.u32;
	s30 =	simm.s32 $0x4  }
0x6: {  	s6 =	sand.u32 $0x1, s3;
	s3 =	simm.s32 $0x0;
	s8 =	sshll.u32 s21, $0x7  }
0x7: {  	s12 =	ssub.s32 $0xA5, s21;
	s19 =	sadd.s32 $0x1860, s2;
	s20 =	sshll.u32 s21, $0xB  }
0x8: {  	s22 =	sshll.u32 s21, $0xA;
	s26 =	sshll.u32 s21, $0xF;
	s31 =	sshll.u32 s21, $0x4  }
0x9: {  	p0 =	sne.s32 s21, $0xF;
	s21 =	simm.s32 $0x10000;
	s4 =	ssub.s32 $0x2, s6  }
0xa: {  	[smem:$0x7FF] =	sst s3;
	s9 =	sor.u32 $0x7800, s8;
	s11 =	sshll.u32 s6, $0xA  }
0xb: {  	s14 =	sor.u32 $0x8000, s8;
	s6 =	sshll.u32 s6, $0x7;
	s7 =	sshrl.u32 s4, $0x1  }
0xc: {  	_ =	strace $0x80000047;
	s10 =	sshll.u32 s9, $0x8;
	s9 =	sshrl.u32 s9, $0x3  }
0xd: {  	s15 =	sshll.u32 s14, $0x8;
	[dreg:$0xb] =	wrdreg s19;
	s6 =	sadd.s32 s6, s0  }
0xe: {  	s28 =	sor.u32 s11, s26;
	s26 =	simm.s32 $0x2;
	s7 =	ssub.s32 s4, s7  }
0xf: {  	s4 =	sshrl.u32 s12, $0x4;
	s10 =	sor.u32 s11, s10;
	s9 =	sadd.s32 s2, s9  }
0x10: {  	s12 =	sor.u32 $0x8800, s8;
	s6 =	sadd.s32 $0x186000, s6;
	s8 =	sor.u32 $0x9000, s8  }
0x11: {  	s29 =	sor.u32 $0x980000, s28;
	[dreg:$0x5] =	wrdreg s9;
	s13 =	sshrl.u32 s10, $0x3  }
0x12: {  	s10 =	sshrl.u32 s14, $0x3;
	s17 =	sshrl.u32 s12, $0x3;
	[dreg:$0xc] =	wrdreg s6  }
0x13: {  	s24 =	sshll.u32 s8, $0x8;
	s25 =	sshrl.u32 s8, $0x3;
	s9 =	sadd.s32 s0, s13  }
0x14: {  	s13 =	sshll.u32 s12, $0x8;
	s10 =	sadd.s32 s2, s10;
	[dreg:$0x6] =	wrdreg s9  }
0x15: {  	s9 =	sor.u32 s11, s15;
	[dreg:$0x7] =	wrdreg s10;
	s16 =	sor.u32 s11, s13  }
0x16: {  	s13 =	sadd.s32 s22, s1;
	s15 =	smax.u32 s7, $0x1;
	s9 =	sshrl.u32 s9, $0x3  }
0x17: {  	s22 =	simm.s32 $0x400;
	s10 =	sshrl.u32 s16, $0x3;
	s9 =	sadd.s32 s0, s9  }
0x18: {  	s16 =	sadd.s32 s2, s25;
	[dreg:$0x8] =	wrdreg s9;
	s9 =	sadd.s32 s2, s17  }
0x19: {  	s18 =	sadd.s32 s0, s10;
	[dreg:$0x9] =	wrdreg s9;
	s9 =	sor.u32 s11, s20  }
0x1a: {  	s25 =	simm.s32 $0x80;
	[dreg:$0xa] =	wrdreg s18;
	s23 =	sshrl.u32 s9, $0x3  }
0x1b: {  	s2 =	sadd.s32 s31, s2;
	s14 =	sadd.s32 s5, s23;
	s5 =	sor.u32 s11, s24  }
0x1c: {  	s18 =	sadd.s32 $0xFFFFFFFF, s4;
	s20 =	sadd.s32 $0x1300, s2;
	s5 =	sshrl.u32 s5, $0x3  }
0x1d: {  	s2 =	simm.s32 $0x0;
	s17 =	sadd.s32 s0, s5;
	s5 =	sshrl.u32 s29, $0x3  }
0x1e: {  	v0 =	vimm.f32 $0.0e+00;
	s23 =	simm.s32 $0x800;
	s24 =	simm.s32 $0x1;
	s19 =	sadd.s32 s5, s0  }
.LBB2_1:
0x1f: {  	s0 =	rddreg [dreg:$0x5]  }
0x20: {  	[tilespmem:s21], [sflag:$0x1] =	stream.linear.gather [hbm4b:s0+s3], $0x80, $0x38;
	[tilespmem:$0x13280] =	vst v63  }
0x21: {  	s29 =	rddreg [dreg:$0x6]  }
0x22: {  	[tilespmem:s3], [sflag:$0x1] =	stream.strided.gather [hbm4b:s29+s22], $0x4000, s23, s22, $0x38;
	[tilespmem:$0x13280] =	vst v63  }
0x23: {  	s31 =	rddreg [dreg:$0x7];
	s5 =	simm.s32 $0x10080  }
0x24: {  	[tilespmem:s5], [sflag:$0x1] =	stream.linear.gather [hbm4b:s31+s3], $0x80, $0x38;
	[tilespmem:$0x13280] =	vst v63  }
0x25: {  	s6 =	simm.s32 $0x4000;
	s5 =	rddreg [dreg:$0x8]  }
0x26: {  	[tilespmem:s6], [sflag:$0x1] =	stream.strided.gather [hbm4b:s5+s22], $0x4000, s23, s22, $0x38;
	[tilespmem:$0x13280] =	vst v63  }
0x27: {  	s7 =	rddreg [dreg:$0x9];
	s8 =	simm.s32 $0x10100  }
0x28: {  	[tilespmem:s8], [sflag:$0x1] =	stream.linear.gather [hbm4b:s7+s3], $0x80, $0x38;
	[tilespmem:$0x13280] =	vst v63  }
0x29: {  	s9 =	rddreg [dreg:$0xa];
	s10 =	simm.s32 $0x8000;
	s0 =	simm.s32 @!p0 $0x0  }
0x2a: {  	[tilespmem:s10], [sflag:$0x1] =	stream.strided.gather [hbm4b:s9+s22], $0x4000, s23, s22, $0x38;
	[tilespmem:$0x13280] =	vst v63  }
0x2b: {  	s29 =	simm.s32 @!p0 $0x12A00;
	s31 =	simm.s32 @!p0 $0x10200;
	s5 =	rddreg [dreg:$0xb]  }
0x2c: {  	[tilespmem:s29], [sflag:$0x3] =	stream.linear.gather @!p0 [hbm4b:s5+s0], $0x50, $0x38;
	[tilespmem:$0x13280] =	vst v63  }
0x2d: {  	s6 =	rddreg [dreg:$0xc];
	s0 =	simm.s32 @!p0 $0x400;
	s5 =	simm.s32 @!p0 $0x800  }
0x2e: {  	[tilespmem:s31], [sflag:$0x3] =	stream.strided.gather @!p0 [hbm4b:s6+s0], $0x2800, s5, s0, $0x38;
	[tilespmem:$0x13280] =	vst v63  }
0x2f: {  	[tilespmem:$0x12E80] =	vst v0  }
0x30: {  	[tilespmem:$0x12E90] =	vst v0  }
0x31: {  	[tilespmem:$0x12EA0] =	vst v0  }
0x32: {  	[tilespmem:$0x12EB0] =	vst v0  }
0x33: {  	[tilespmem:$0x12EC0] =	vst v0  }
0x34: {  	[tilespmem:$0x12ED0] =	vst v0  }
0x35: {  	[tilespmem:$0x12EE0] =	vst v0  }
0x36: {  	[tilespmem:$0x12EF0] =	vst v0  }
0x37: {  	[tilespmem:$0x12F00] =	vst v0  }
0x38: {  	[tilespmem:$0x12F10] =	vst v0  }
0x39: {  	[tilespmem:$0x12F20] =	vst v0  }
0x3a: {  	[tilespmem:$0x12F30] =	vst v0  }
0x3b: {  	[tilespmem:$0x12F40] =	vst v0  }
0x3c: {  	[tilespmem:$0x12F50] =	vst v0  }
0x3d: {  	[tilespmem:$0x12F60] =	vst v0  }
0x3e: {  	[tilespmem:$0x12F70] =	vst v0  }
0x3f: {  	[tilespmem:$0x12F80] =	vst v0  }
0x40: {  	[tilespmem:$0x12F90] =	vst v0  }
0x41: {  	[tilespmem:$0x12FA0] =	vst v0  }
0x42: {  	[tilespmem:$0x12FB0] =	vst v0  }
0x43: {  	[tilespmem:$0x12FC0] =	vst v0  }
0x44: {  	[tilespmem:$0x12FD0] =	vst v0  }
0x45: {  	[tilespmem:$0x12FE0] =	vst v0  }
0x46: {  	[tilespmem:$0x12FF0] =	vst v0  }
0x47: {  	[tilespmem:$0x13000] =	vst v0  }
0x48: {  	[tilespmem:$0x13010] =	vst v0  }
0x49: {  	[tilespmem:$0x13020] =	vst v0  }
0x4a: {  	[tilespmem:$0x13030] =	vst v0  }
0x4b: {  	[tilespmem:$0x13040] =	vst v0  }
0x4c: {  	[tilespmem:$0x13050] =	vst v0  }
0x4d: {  	[tilespmem:$0x13060] =	vst v0  }
0x4e: {  	[tilespmem:$0x13070] =	vst v0  }
0x4f: {  	[tilespmem:$0x13080] =	vst v0  }
0x50: {  	[tilespmem:$0x13090] =	vst v0  }
0x51: {  	[tilespmem:$0x130A0] =	vst v0  }
0x52: {  	[tilespmem:$0x130B0] =	vst v0  }
0x53: {  	[tilespmem:$0x130C0] =	vst v0  }
0x54: {  	[tilespmem:$0x130D0] =	vst v0  }
0x55: {  	[tilespmem:$0x130E0] =	vst v0  }
0x56: {  	[tilespmem:$0x130F0] =	vst v0  }
0x57: {  	[tilespmem:$0x13100] =	vst v0  }
0x58: {  	[tilespmem:$0x13110] =	vst v0  }
0x59: {  	[tilespmem:$0x13120] =	vst v0  }
0x5a: {  	[tilespmem:$0x13130] =	vst v0  }
0x5b: {  	[tilespmem:$0x13140] =	vst v0  }
0x5c: {  	[tilespmem:$0x13150] =	vst v0  }
0x5d: {  	[tilespmem:$0x13160] =	vst v0  }
0x5e: {  	[tilespmem:$0x13170] =	vst v0  }
0x5f: {  	[tilespmem:$0x13180] =	vst v0  }
0x60: {  	[tilespmem:$0x13190] =	vst v0  }
0x61: {  	[tilespmem:$0x131A0] =	vst v0  }
0x62: {  	[tilespmem:$0x131B0] =	vst v0  }
0x63: {  	[tilespmem:$0x131C0] =	vst v0  }
0x64: {  	[tilespmem:$0x131D0] =	vst v0  }
0x65: {  	[tilespmem:$0x131E0] =	vst v0  }
0x66: {  	[tilespmem:$0x131F0] =	vst v0  }
0x67: {  	[tilespmem:$0x13200] =	vst v0  }
0x68: {  	[tilespmem:$0x13210] =	vst v0  }
0x69: {  	[tilespmem:$0x13220] =	vst v0  }
0x6a: {  	[tilespmem:$0x13230] =	vst v0  }
0x6b: {  	[tilespmem:$0x13240] =	vst v0  }
0x6c: {  	[tilespmem:$0x13250] =	vst v0  }
0x6d: {  	[tilespmem:$0x13260] =	vst v0  }
0x6e: {  	s11 =	simm.s32 $0x12E80;
	[tilespmem:$0x13270] =	vst v0  }
0x6f: {  	[spmem:s13] =	stream.linear.scatter [tilespmem:s11], [sflag:$0x4], $0x400, $0x38;
	[tilespmem:$0x13280] =	vst v63  }
0x70: {  	_ =	swait.ge [sflag:s30], $0x400  }
0x71: {  	[sflag:s30] =	ssyncset.done $0x0  }
0x72: {  	[sflag:s30] =	ssyncadd.s32 $0xFFFFFC00  }
0x73: {  	s28 =	simm.s32 @!p0 $0x3;
	[bflag:$0x0] =	sbarrier.arrive $0xFFFF  }
0x74: {  	_ =	swait.ge @!p0 [sflag:s28], $0x50  }
0x75: {  	[sflag:s28] =	ssyncset.done @!p0 $0x0  }
0x76: {  	[sflag:s28] =	ssyncadd.s32 @!p0 $0xFFFFFFB0  }
0x77: {  	_ =	swait.ge @!p0 [sflag:s28], $0x2800  }
0x78: {  	[sflag:s28] =	ssyncset.done @!p0 $0x0  }
0x79: {  	s0 =	simm.s32 @!p0 $0x50;
	[sflag:s28] =	ssyncadd.s32 @!p0 $0xFFFFD800  }
0x7a: {  	[spmem:s1] =	stream.indirect.scatter.add.f32 @!p0 [tilespmem:s31], [sflag:$0x3], $0x80, s29, s0, $0xb8;
	[tilespmem:$0x13280] =	vst v63  }
0x7b: {  	s12 =	simm.s32 $0x10180  }
0x7c: {  	[tilespmem:s12], [sflag:$0x1] =	stream.linear.gather [hbm4b:s16+s3], $0x80, $0x38;
	[tilespmem:$0x13280] =	vst v63  }
0x7d: {  	s29 =	simm.s32 $0xC000  }
0x7e: {  	[tilespmem:s29], [sflag:$0x1] =	stream.strided.gather [hbm4b:s17+s22], $0x4000, s23, s22, $0x38;
	[tilespmem:$0x13280] =	vst v63  }
0x7f: {  	_ =	swait.ge [sflag:s24], $0x80  }
0x80: {  	p2 =	sne.s32 s18, $0x1;
	[sflag:s24] =	ssyncset.done $0x0  }
.Ltmp0:
0x81: {  	[sflag:s24] =	ssyncadd.s32 $0xFFFFFF80;
	(pc) =	sbr.rel @!p2 .LBB2_2-.Ltmp0, $4  }
0x82: {  	s31 =	simm.s32 $0x1;
	_ =	swait.ge [sflag:s24], $0x4000  }
0x83: {  	p1 =	por $0x0, $0x0;
	s6 =	sand.u32 $0x3, s31;
	[sflag:s24] =	ssyncset.done $0x0  }
0x84: {  	s9 =	simm.s32 $0x4;
	s8 =	sshll.u32 s6, $0x7;
	[sflag:s24] =	ssyncadd.s32 $0xFFFFC000  }
0x85: {  	[spmem:s1] =	stream.indirect.scatter.add.f32 [tilespmem:s3], [sflag:$0x2], $0x80, s21, s25, $0xb8;
	[tilespmem:$0x13280] =	vst v63  }
0x86: {  	p1 =	sle.u32 s4, $0x4  }
0x87: {  	_ =	swait.ge [sflag:s26], $0x4000;
	s0 =	sand.u32 @!p1 $0x3, s9  }
0x88: {  	[sflag:s26] =	ssyncset.done $0x0;
	s5 =	sshll.u32 @!p1 s0, $0x7  }
0x89: {  	s7 =	simm.s32 @!p1 $0x0;
	[sflag:s26] =	ssyncadd.s32 $0xFFFFC000;
	s5 =	sor.u32 @!p1 $0x10000, s5  }
0x8a: {  	[tilespmem:s5], [sflag:$0x1] =	stream.linear.gather @!p1 [hbm4b:s20+s7], $0x80, $0x38;
	[tilespmem:$0x13280] =	vst v63  }
0x8b: {  	s0 =	sshll.u32 @!p1 s0, $0xE;
	s5 =	simm.s32 @!p1 $0x400;
	s7 =	simm.s32 @!p1 $0x800  }
0x8c: {  	[tilespmem:s0], [sflag:$0x1] =	stream.strided.gather @!p1 [hbm4b:s19+s5], $0x4000, s7, s5, $0x38;
	[tilespmem:$0x13280] =	vst v63  }
0x8d: {  	p2 =	sne.s32 s18, $0x2;
	_ =	swait.ge [sflag:s24], $0x80  }
.Ltmp1:
0x8e: {  	s29 =	sadd.s32 $0x10000, s19;
	[sflag:s24] =	ssyncset.done $0x0;
	(pc) =	sbr.rel @!p2 .LBB2_4-.Ltmp1, $4  }
0x8f: {  	s31 =	sadd.s32 $0x100, s20;
	s10 =	sor.u32 $0x10000, s8;
	[sflag:s24] =	ssyncadd.s32 $0xFFFFFF80  }
0x90: {  	s11 =	sshll.u32 s6, $0xE;
	s0 =	simm.s32 $0x2;
	_ =	swait.ge [sflag:s24], $0x4000  }
0x91: {  	s9 =	simm.s32 $0x5;
	s5 =	sand.u32 $0x3, s0;
	[sflag:s24] =	ssyncset.done $0x0  }
0x92: {  	p1 =	por $0x1, $0x1;
	s7 =	sshll.u32 s5, $0x7;
	[sflag:s24] =	ssyncadd.s32 $0xFFFFC000  }
.LBB2_5:
0x93: {  	[spmem:s1] =	stream.indirect.scatter.add.f32 [tilespmem:s11], [sflag:$0x2], $0x80, s10, s25, $0xb8;
	[tilespmem:$0x13280] =	vst v63  }
0x94: {  	s6 =	sadd.s32 $0x4, s0;
	s0 =	sadd.s32 $0x1, s0;
	p2 =	sge.u32 s9, s4  }
0x95: {  	s8 =	sand.u32 $0x3, s0;
	s9 =	sand.u32 @!p2 $0x3, s9;
	_ =	swait.ge [sflag:s26], $0x4000  }
0x96: {  	s10 =	sshll.u32 @!p2 s9, $0x7;
	s9 =	sshll.u32 @!p2 s9, $0xE;
	[sflag:s26] =	ssyncset.done $0x0  }
0x97: {  	s11 =	simm.s32 @!p2 $0x0;
	s10 =	sor.u32 @!p2 $0x10000, s10;
	[sflag:s26] =	ssyncadd.s32 $0xFFFFC000  }
0x98: {  	[tilespmem:s10], [sflag:$0x1] =	stream.linear.gather @!p2 [hbm4b:s31+s11], $0x80, $0x38;
	[tilespmem:$0x13280] =	vst v63  }
0x99: {  	s12 =	simm.s32 @!p2 $0x800;
	s10 =	sshll.u32 s8, $0x7;
	s11 =	simm.s32 @!p2 $0x400  }
0x9a: {  	[tilespmem:s9], [sflag:$0x1] =	stream.strided.gather @!p2 [hbm4b:s29+s11], $0x4000, s12, s11, $0x38;
	[tilespmem:$0x13280] =	vst v63  }
0x9b: {  	p2 =	sne.s32 s18, s0;
	s9 =	smov.u32 s6;
	_ =	swait.ge [sflag:s24], $0x80  }
.Ltmp2:
0x9c: {  	s6 =	smov.u32 s5;
	[sflag:s24] =	ssyncset.done $0x0;
	(pc) =	sbr.rel @p2 .LBB2_5-.Ltmp2, $4  }
0x9d: {  	s5 =	smov.u32 s8;
	s8 =	smov.u32 s7;
	[sflag:s24] =	ssyncadd.s32 $0xFFFFFF80  }
0x9e: {  	s7 =	smov.u32 s10;
	_ =	swait.ge [sflag:s24], $0x4000  }
0x9f: {  	s31 =	sadd.s32 $0x100, s31;
	s29 =	sadd.s32 $0x10000, s29;
	[sflag:s24] =	ssyncset.done $0x0  }
0xa0: {  	s10 =	sor.u32 $0x10000, s8;
	s11 =	sshll.u32 s6, $0xE;
	[sflag:s24] =	ssyncadd.s32 $0xFFFFC000  }
0xa1: {  	s6 =	smov.u32 s5;
	s8 =	smov.u32 s7  }
.LBB2_7:
0xa2: {  	[spmem:s1] =	stream.indirect.scatter.add.f32 @p1 [tilespmem:s11], [sflag:$0x2], $0x80, s10, s25, $0xb8;
	[tilespmem:$0x13280] =	vst v63  }
0xa3: {  	p1 =	sge.u32 s9, s4  }
0xa4: {  	_ =	swait.ge [sflag:s26], $0x4000;
	s0 =	sand.u32 @!p1 $0x3, s9  }
0xa5: {  	[sflag:s26] =	ssyncset.done $0x0;
	s5 =	sshll.u32 @!p1 s0, $0x7  }
0xa6: {  	s7 =	simm.s32 @!p1 $0x0;
	[sflag:s26] =	ssyncadd.s32 $0xFFFFC000;
	s5 =	sor.u32 @!p1 $0x10000, s5  }
0xa7: {  	[tilespmem:s5], [sflag:$0x1] =	stream.linear.gather @!p1 [hbm4b:s31+s7], $0x80, $0x38;
	[tilespmem:$0x13280] =	vst v63  }
0xa8: {  	s0 =	sshll.u32 @!p1 s0, $0xE;
	s5 =	simm.s32 @!p1 $0x400;
	s7 =	simm.s32 @!p1 $0x800  }
0xa9: {  	[tilespmem:s0], [sflag:$0x1] =	stream.strided.gather @!p1 [hbm4b:s29+s5], $0x4000, s7, s5, $0x38;
	[tilespmem:$0x13280] =	vst v63  }
0xaa: {  	_ =	swait.ge [sflag:s24], $0x80  }
0xab: {  	[sflag:s24] =	ssyncset.done $0x0  }
0xac: {  	[sflag:s24] =	ssyncadd.s32 $0xFFFFFF80  }
0xad: {  	_ =	swait.ge [sflag:s24], $0x4000  }
0xae: {  	[sflag:s24] =	ssyncset.done $0x0  }
0xaf: {  	s11 =	sor.u32 $0x10000, s8;
	s12 =	sshll.u32 s6, $0xE;
	[sflag:s24] =	ssyncadd.s32 $0xFFFFC000  }
0xb0: {  	[spmem:s1] =	stream.indirect.scatter.add.f32 [tilespmem:s12], [sflag:$0x2], $0x80, s11, s25, $0xb8;
	[tilespmem:$0x13280] =	vst v63  }
0xb1: {  	_ =	swait.ge [sflag:s26], $0x4000  }
0xb2: {  	[sflag:s26] =	ssyncset.done $0x0  }
0xb3: {  	[sflag:s26] =	ssyncadd.s32 $0xFFFFC000  }
0xb4: {  	_ =	swait.ge @!p0 [sflag:s28], $0x2800  }
0xb5: {  	s2 =	sadd.s32 $0x1, s2;
	s29 =	stileid.u32;
	[sflag:s28] =	ssyncset.done @!p0 $0x0  }
0xb6: {  	s31 =	sshrl.u32 s13, $0x3;
	s0 =	sshll.u32 s29, $0x6;
	[sflag:s28] =	ssyncadd.s32 @!p0 $0xFFFFD800  }
0xb7: {  	p1 =	sne.s32 s2, s15;
	s0 =	sor.u32 $0x1C04, s0;
	[bflag:$0x0] =	sbarrier.arrive $0xFFFF  }
0xb8: {  	[hbm:s14], [sflag:s0] =	dma.local [spmem:s31], $0x80  }
.Ltmp3:
0xb9: {  	_ = 	snop;
	(pc) =	sbr.rel @p1 .LBB2_1-.Ltmp3, $4  }
.Ltmp4:
0xba: {  	_ = 	snop;
	(pc) =	sbr.rel @!p1 .LBB2_8-.Ltmp4, $4  }
0xbb: {  	_ =	swait.ge [sflag:s30], $0x80  }
0xbc: {  	[sflag:s30] =	ssyncset.done $0x0  }
0xbd: {  	[sflag:s30] =	ssyncadd.s32 $0xFFFFFF80  }
0xbe: {  	_ = 	snop  }
.LBB2_2:
.Ltmp5:
0xbf: {  	(pc) =	sbr.rel .LBB2_7-.Ltmp5, $2  }
0xc0: {  	_ =	sdelay $0x2  }
0xc1: {  	s31 =	smov.u32 s20;
	s29 =	smov.u32 s19  }
.LBB2_4:
.Ltmp6:
0xc2: {  	(pc) =	sbr.rel .LBB2_7-.Ltmp6, $2  }
0xc3: {  	_ =	sdelay $0x2  }
0xc4: {  	s9 =	simm.s32 $0x5;
	s6 =	smov.u32 s5;
	s8 =	smov.u32 s7  }
.LBB2_8:
0xc5: {  	_ =	sfence.sel $0x180000  }
0xc6: {  	[bflag:$0x0] =	sbarrier.arrive $0xFFFF  }
0xc7: {  	_ =	strace $0x90000047  }
0xc8: {  	s0 =	stileid.u32;
	[bflag:$0x2] =	sbarrier.arrive $0xFFFF  }
0xc9: {  	p0 =	sne.s32 s0, $0x0;
	s0 =	rddreg [dreg:$0x4]  }
0xca: {  	s0 =	sadd.s32 @!p0 $0x100000, s0  }
0xcb: {  	[sflag:s0] =	ssyncadd.tile.s32 @!p0 $0x1;
	_ =	shalt  }
.Lfunc_end2:
_tile_overlayer_lowered:
.L_overlay_start_2:
0xcc: {  	(tag) =	ssettag $0x2  }
0xcd: {  	s0 =	rddreg [dreg:$0x0];
	s2 =	stileid.u32  }
0xce: {  	s1 =	rddreg [dreg:$0x1];
	p0 =	sne.s32 s2, $0x0  }
0xcf: {  	s3 =	rddreg [dreg:$0x2];
	[bflag:$0x3] =	sbarrier.arrive $0xFFFF;
	s2 =	simm.s32 @!p0 $0x1C04  }
0xd0: {  	[timem:s3], [sflag:s2] =	dma.local @!p0 [hbm:s0], s1  }
0xd1: {  	s0 =	simm.s32 @!p0 $0x4  }
0xd2: {  	_ =	swait.ge @!p0 [sflag:s0], s1  }
0xd3: {  	s1 =	ssub.s32 @!p0 $0x0, s1;
	[sflag:s0] =	ssyncset.done @!p0 $0x0  }
0xd4: {  	[sflag:s0] =	ssyncadd.s32 @!p0 s1  }
0xd5: {  	[bflag:$0x3] =	sbarrier.arrive $0xFFFF  }
0xd6: {  	_ =	shalt  }

</sc_bundles>
